<compile_context>
chip_gen: v7x
topology: tpu7x:2x2x1
jax: 0.10.2.dev20260603
libtpu: 0.0.44.dev20260713+nightly
codegen_flags: <defaults>
</compile_context>

<pallas_src>
import functools

import jax
import jax.numpy as jnp
from jax import lax
from jax.experimental import pallas as pl
from jax.experimental.pallas import tpu as pltpu
from jax.experimental.pallas import tpu_sc as plsc

EPS = 0.1
T_TILE = 2048
V_TILE = 2048

N_TOK = 16384
N_VOCAB = 8192
D = 64

_NC, _NS = 2, 16
_NW = _NC * _NS
_BPW = N_TOK // _NW


NT = N_TOK // T_TILE
NV = N_VOCAB // V_TILE


def _argmax_body(flat_ref, vocab_ref, ids_ref, vpad_ref, voc_scr):
    t = pl.program_id(0)

    @pl.when(t == 0)
    def _():
        voc = vocab_ref[...]
        vn = jnp.sqrt(jnp.sum(voc * voc, axis=1, keepdims=True))
        voc_scr[...] = (voc / jnp.maximum(vn, 1e-12)).astype(jnp.bfloat16)
        vpad_ref[:, :D] = voc
        vpad_ref[:, D:] = jnp.zeros((N_VOCAB, 128 - D), jnp.float32)

    emb = flat_ref[...]
    en = jnp.sqrt(jnp.sum(emb * emb, axis=1, keepdims=True))
    emb_n = (emb / jnp.maximum(en, 1e-12)).astype(jnp.bfloat16)

    rm = jnp.full((T_TILE, 128), -jnp.inf, jnp.float32)
    ri = jnp.zeros((T_TILE, 128), jnp.float32)
    for v in range(NV):
        sim = jax.lax.dot_general(
            emb_n, voc_scr[v * V_TILE:(v + 1) * V_TILE, :],
            (((1,), (1,)), ((), ())),
            preferred_element_type=jnp.float32,
        )
        for c in range(V_TILE // 128):
            chunk = sim[:, c * 128:(c + 1) * 128]
            gt = chunk > rm
            ri = jnp.where(gt, jnp.float32(v * (V_TILE // 128) + c), ri)
            rm = jnp.where(gt, chunk, rm)

    m = jnp.max(rm, axis=1, keepdims=True)
    lane_f = jax.lax.broadcasted_iota(
        jnp.int32, (1, 128), 1).astype(jnp.float32)
    enc = ri * jnp.float32(128.0) + lane_f
    idx_f = jnp.min(jnp.where(rm == m, enc, jnp.float32(jnp.inf)),
                    axis=1, keepdims=True)
    ids_ref[...] = idx_f.astype(jnp.int32)


def _anchor_ids(flat, vocab):
    ids, vpad = pl.pallas_call(
        _argmax_body,
        grid=(NT,),
        in_specs=[
            pl.BlockSpec((T_TILE, D), lambda t: (t, 0)),
            pl.BlockSpec((N_VOCAB, D), lambda t: (0, 0)),
        ],
        out_specs=[
            pl.BlockSpec((T_TILE, 1), lambda t: (t, 0)),
            pl.BlockSpec((N_VOCAB, 128), lambda t: (0, 0)),
        ],
        out_shape=[
            jax.ShapeDtypeStruct((N_TOK, 1), jnp.int32),
            jax.ShapeDtypeStruct((N_VOCAB, 128), jnp.float32),
        ],
        scratch_shapes=[
            pltpu.VMEM((N_VOCAB, D), jnp.bfloat16),
        ],
    )(flat, vocab)
    return ids[:, 0], vpad


def _gather_body(ids_hbm, vocab_hbm, out_hbm, idx_v, rows_v, sem):
    wid = lax.axis_index("s") * _NC + lax.axis_index("c")
    base = wid * _BPW
    pltpu.sync_copy(ids_hbm.at[pl.ds(base, _BPW)], idx_v)
    pltpu.async_copy(vocab_hbm.at[idx_v], rows_v, sem).wait()
    pltpu.sync_copy(rows_v, out_hbm.at[pl.ds(base, _BPW)])


@functools.cache
def _sc_gather_kernel():
    return pl.kernel(
        _gather_body,
        out_type=jax.ShapeDtypeStruct((N_TOK, 128), jnp.float32),
        mesh=plsc.VectorSubcoreMesh(core_axis_name="c", subcore_axis_name="s"),
        scratch_types=[
            pltpu.VMEM((_BPW,), jnp.int32),
            pltpu.VMEM((_BPW, 128), jnp.float32),
            pltpu.SemaphoreType.DMA,
        ],
    )


def _clip_body(flat_ref, anc_ref, out_ref):
    f = flat_ref[...]
    a = anc_ref[:, :D]
    off = f - a
    on2 = jnp.sum(off * off, axis=1, keepdims=True)
    an2 = jnp.sum(a * a, axis=1, keepdims=True)
    scale = jnp.minimum(EPS * jnp.sqrt(an2) / (jnp.sqrt(on2) + 1e-8), 1.0)
    out_ref[...] = a + off * scale


def _clip(flat, anchors):
    c_tile = 2048
    return pl.pallas_call(
        _clip_body,
        grid=(N_TOK // c_tile,),
        in_specs=[
            pl.BlockSpec((c_tile, D), lambda t: (t, 0)),
            pl.BlockSpec((c_tile, 128), lambda t: (t, 0)),
        ],
        out_specs=pl.BlockSpec((c_tile, D), lambda t: (t, 0)),
        out_shape=jax.ShapeDtypeStruct((N_TOK, D), jnp.float32),
    )(flat, anchors)


def kernel(embeddings, vocab_embeddings):
    B, S, _ = embeddings.shape
    flat = embeddings.reshape(-1, D)
    ids, vocab_pad = _anchor_ids(flat, vocab_embeddings)
    anchors = _sc_gather_kernel()(ids, vocab_pad)
    res = _clip(flat, anchors)
    return res.reshape(B, S, D), ids.reshape(B, S)

# --- scband reference (transcript-rebuilt; emitter-appended) ---
"""Pipeline reference for scband-anchor-plus-offset-77988016161040 (READ-ONLY COPY).

The authoritative reference and input builder live on the scoring server;
editing this copy changes nothing except your own understanding.
"""

import jax, jax.numpy as jnp
import numpy as np

EPSILON = 0.1

def setup_inputs(seed: int = 0) -> dict:
    key = jax.random.key(seed)
    k1, k2 = jax.random.split(key)
    embeddings = jax.random.normal(k1, (4, 4096, 64), dtype=jnp.float32)
    vocab_embeddings = jax.random.normal(k2, (8192, 64), dtype=jnp.float32)
    return {"embeddings": embeddings, "vocab_embeddings": vocab_embeddings}

def _l2_normalize(x, axis=-1, eps=1e-12):
    n = jnp.linalg.norm(x, axis=axis, keepdims=True)
    return x / jnp.maximum(n, eps)

def reference(embeddings, vocab_embeddings):
    B, S, D = embeddings.shape
    flat = embeddings.reshape(-1, D)
    emb_norm = _l2_normalize(flat, axis=-1)
    vocab_norm = _l2_normalize(vocab_embeddings, axis=-1)
    sim = emb_norm @ vocab_norm.T
    anchor_ids = jnp.argmax(sim, axis=-1)
    anchor_embeddings = jnp.take(vocab_embeddings, anchor_ids, axis=0)
    offset = flat - anchor_embeddings
    offset_norm = jnp.linalg.norm(offset, axis=-1, keepdims=True)
    anchor_norm = jnp.linalg.norm(anchor_embeddings, axis=-1, keepdims=True)
    max_offset = EPSILON * anchor_norm
    clipped_offset = offset * jnp.minimum(max_offset / (offset_norm + 1e-08), 1.0)
    result = anchor_embeddings + clipped_offset
    return result.reshape(B, S, D), anchor_ids.reshape(B, S)

if __name__ == "__main__":
    import jax
    _d = setup_inputs()
    print(jax.jit(kernel)(*tuple(_d.values())))

</pallas_src>

<mosaic_0001>
#map = affine_map<(d0, d1) -> (0)>
#map1 = affine_map<(d0, d1) -> (0, 0)>
module attributes {stable_mosaic.version = 14 : i64} {
  func.func @_gather_body(%arg0: i32, %arg1: i32, %arg2: memref<16384xi32, #tpu.memory_space<hbm>>, %arg3: memref<8192x128xf32, #tpu.memory_space<hbm>>, %arg4: memref<16384x128xf32, #tpu.memory_space<hbm>>, %arg5: memref<512xi32, #tpu.memory_space<vmem>>, %arg6: memref<512x128xf32, #tpu.memory_space<vmem>>, %arg7: memref<!tpu.dma_semaphore, #tpu.memory_space<semaphore_mem>>) attributes {dimension_semantics = [#tpu.dimension_semantics<core_parallel>, #tpu.dimension_semantics<subcore_parallel>], iteration_bounds = array<i64: 2, 16>, scalar_prefetch = 0 : i64, scratch_operands = 3 : i64, tpu.core_type = #tpu.core_type<sc_vector_subcore>, window_params = [{transform_indices = #map}, {transform_indices = #map1}, {transform_indices = #map1}]} {
    %mul3A = arith.constant 2 : i32
    %mul3A_0 = arith.muli %arg1, %mul3A : i32
    %add3A = arith.addi %mul3A_0, %arg0 : i32
    %mul3A_1 = arith.constant 512 : i32
    %mul3A_2 = arith.muli %add3A, %mul3A_1 : i32
    "tpu.region"() ({
      %run_scoped3A = tpu.sem_alloc : memref<!tpu.dma_semaphore, #tpu.memory_space<semaphore_mem>>
      %dma_start3A_7 = tpu.memref_slice %arg2[%mul3A_2] : memref<16384xi32, #tpu.memory_space<hbm>> -> memref<512xi32, #tpu.memory_space<hbm>>
      %dma_start3A_8 = tpu.memref_slice %arg2[%mul3A_2] : memref<16384xi32, #tpu.memory_space<hbm>> -> memref<512xi32, #tpu.memory_space<hbm>>
      tpu.enqueue_dma source(%dma_start3A_8 : memref<512xi32, #tpu.memory_space<hbm>>) target(%arg5 : memref<512xi32, #tpu.memory_space<vmem>>) target_semaphore(%run_scoped3A : memref<!tpu.dma_semaphore, #tpu.memory_space<semaphore_mem>>)
      %dma_wait3A_9 = tpu.memref_slice %arg2[%mul3A_2] : memref<16384xi32, #tpu.memory_space<hbm>> -> memref<512xi32, #tpu.memory_space<hbm>>
      %dma_wait3A_10 = tpu.memref_slice %arg2[%mul3A_2] : memref<16384xi32, #tpu.memory_space<hbm>> -> memref<512xi32, #tpu.memory_space<hbm>>
      tpu.wait_dma2 semaphore(%run_scoped3A : memref<!tpu.dma_semaphore, #tpu.memory_space<semaphore_mem>>) src(%dma_wait3A_10 : memref<512xi32, #tpu.memory_space<hbm>>) dst(%arg5 : memref<512xi32, #tpu.memory_space<vmem>>)
      tpu.yield
    }) : () -> ()
    %dma_start3A = arith.constant 0 : i32
    %dma_start3A_3 = arith.constant 0 : i32
    %dma_start3A_4 = tpu.memref_slice %arg3[%dma_start3A, %dma_start3A_3] : memref<8192x128xf32, #tpu.memory_space<hbm>> -> memref<8192x128xf32, #tpu.memory_space<hbm>>
    tpu.enqueue_indirect_dma source(%dma_start3A_4 : memref<8192x128xf32, #tpu.memory_space<hbm>>) target(%arg6 : memref<512x128xf32, #tpu.memory_space<vmem>>) offsets(%arg5 : memref<512xi32, #tpu.memory_space<vmem>>) semaphore(%arg7 : memref<!tpu.dma_semaphore, #tpu.memory_space<semaphore_mem>>)
    %dma_wait3A = arith.constant 0 : i32
    %dma_wait3A_5 = arith.constant 0 : i32
    %dma_wait3A_6 = tpu.memref_slice %arg3[%dma_wait3A, %dma_wait3A_5] : memref<8192x128xf32, #tpu.memory_space<hbm>> -> memref<8192x128xf32, #tpu.memory_space<hbm>>
    tpu.wait_indirect_dma semaphore(%arg7 : memref<!tpu.dma_semaphore, #tpu.memory_space<semaphore_mem>>) src(%dma_wait3A_6 : memref<8192x128xf32, #tpu.memory_space<hbm>>) dst(%arg6 : memref<512x128xf32, #tpu.memory_space<vmem>>)
    "tpu.region"() ({
      %run_scoped3A = tpu.sem_alloc : memref<!tpu.dma_semaphore, #tpu.memory_space<semaphore_mem>>
      %dma_start3A_7 = arith.constant 0 : i32
      %dma_start3A_8 = tpu.memref_slice %arg4[%mul3A_2, %dma_start3A_7] : memref<16384x128xf32, #tpu.memory_space<hbm>> -> memref<512x128xf32, #tpu.memory_space<hbm>>
      %dma_start3A_9 = arith.constant 0 : i32
      %dma_start3A_10 = tpu.memref_slice %arg4[%mul3A_2, %dma_start3A_9] : memref<16384x128xf32, #tpu.memory_space<hbm>> -> memref<512x128xf32, #tpu.memory_space<hbm>>
      tpu.enqueue_dma source(%arg6 : memref<512x128xf32, #tpu.memory_space<vmem>>) target(%dma_start3A_10 : memref<512x128xf32, #tpu.memory_space<hbm>>) target_semaphore(%run_scoped3A : memref<!tpu.dma_semaphore, #tpu.memory_space<semaphore_mem>>)
      %dma_wait3A_11 = arith.constant 0 : i32
      %dma_wait3A_12 = tpu.memref_slice %arg4[%mul3A_2, %dma_wait3A_11] : memref<16384x128xf32, #tpu.memory_space<hbm>> -> memref<512x128xf32, #tpu.memory_space<hbm>>
      %dma_wait3A_13 = arith.constant 0 : i32
      %dma_wait3A_14 = tpu.memref_slice %arg4[%mul3A_2, %dma_wait3A_13] : memref<16384x128xf32, #tpu.memory_space<hbm>> -> memref<512x128xf32, #tpu.memory_space<hbm>>
      tpu.wait_dma2 semaphore(%run_scoped3A : memref<!tpu.dma_semaphore, #tpu.memory_space<semaphore_mem>>) src(%arg6 : memref<512x128xf32, #tpu.memory_space<vmem>>) dst(%dma_wait3A_14 : memref<512x128xf32, #tpu.memory_space<hbm>>)
      tpu.yield
    }) : () -> ()
    return
  }
}

module attributes {stable_mosaic.version = 14 : i64} {
  func.func @_argmax_body(%arg0: i32, %arg1: memref<2048x64xf32, #tpu.memory_space<vmem>>, %arg2: memref<8192x64xf32, #tpu.memory_space<vmem>>, %arg3: memref<2048x1xi32, #tpu.memory_space<vmem>>, %arg4: memref<8192x128xf32, #tpu.memory_space<vmem>>, %arg5: memref<8192x64xbf16, #tpu.memory_space<vmem>>) attributes {dimension_semantics = [#tpu.dimension_semantics<arbitrary>], iteration_bounds = array<i64: 8>, scalar_prefetch = 0 : i64, scratch_operands = 1 : i64, tpu.core_type = #tpu.core_type<tc>, window_params = [{transform_indices = @transform_0, window_bounds = array<i64: 2048, 64>}, {pipeline_mode = #tpu.pipeline_mode<synchronous>, transform_indices = @transform_1, window_bounds = array<i64: 8192, 64>}, {transform_indices = @transform_2, window_bounds = array<i64: 2048, 1>}, {pipeline_mode = #tpu.pipeline_mode<synchronous>, transform_indices = @transform_3, window_bounds = array<i64: 8192, 128>}]} {
    %eq3A = arith.constant 0 : i32
    %eq3A_0 = arith.cmpi eq, %arg0, %eq3A : i32
    %convert_element_type3A = arith.extui %eq3A_0 : i1 to i32
    %cond3A = arith.constant 0 : i32
    %cond3A_1 = arith.cmpi ne, %convert_element_type3A, %cond3A : i32
    scf.if %cond3A_1 {
      %get3A_429 = arith.constant 0 : index
      %get3A_430 = arith.constant 0 : index
      %get3A_431 = vector.load %arg2[%get3A_429, %get3A_430] : memref<8192x64xf32, #tpu.memory_space<vmem>>, vector<8192x64xf32>
      %mul3A_432 = arith.mulf %get3A_431, %get3A_431 : vector<8192x64xf32>
      %reduce_sum3A_433 = arith.constant dense<0.000000e+00> : vector<8192xf32>
      %reduce_sum3A_434 = vector.multi_reduction <add>, %mul3A_432, %reduce_sum3A_433 [1] : vector<8192x64xf32> to vector<8192xf32>
      %broadcast_in_dim3A_435 = vector.shape_cast %reduce_sum3A_434 : vector<8192xf32> to vector<8192x1xf32>
      %sqrt3A_436 = math.sqrt %broadcast_in_dim3A_435 : vector<8192x1xf32>
      %max3A_437 = arith.constant 9.99999996E-13 : f32
      %max3A_438 = vector.broadcast %max3A_437 : f32 to vector<8192x1xf32>
      %max3A_439 = arith.maximumf %sqrt3A_436, %max3A_438 : vector<8192x1xf32>
      %div3A_440 = vector.broadcast %max3A_439 : vector<8192x1xf32> to vector<8192x64xf32>
      %div3A_441 = arith.divf %get3A_431, %div3A_440 : vector<8192x64xf32>
      %convert_element_type3A_442 = arith.truncf %div3A_441 : vector<8192x64xf32> to vector<8192x64xbf16>
      %swap3A_443 = arith.constant 0 : index
      %swap3A_444 = arith.constant 0 : index
      %swap3A_445 = vector.load %arg5[%swap3A_443, %swap3A_444] : memref<8192x64xbf16, #tpu.memory_space<vmem>>, vector<8192x64xbf16>
      tpu.vector_store %arg5[%swap3A_443, %swap3A_444], %convert_element_type3A_442 {strides = array<i32>} : memref<8192x64xbf16, #tpu.memory_space<vmem>>, vector<8192x64xbf16>,
      %swap3A_446 = arith.constant 0 : index
      %swap3A_447 = arith.constant 0 : index
      %swap3A_448 = vector.load %arg4[%swap3A_446, %swap3A_447] : memref<8192x128xf32, #tpu.memory_space<vmem>>, vector<8192x64xf32>
      tpu.vector_store %arg4[%swap3A_446, %swap3A_447], %get3A_431 {strides = array<i32>} : memref<8192x128xf32, #tpu.memory_space<vmem>>, vector<8192x64xf32>,
      %broadcast_in_dim3A_449 = arith.constant 0.000000e+00 : f32
      %broadcast_in_dim3A_450 = vector.broadcast %broadcast_in_dim3A_449 : f32 to vector<8192x64xf32>
      %swap3A_451 = arith.constant 0 : index
      %swap3A_452 = arith.constant 64 : index
      %swap3A_453 = vector.load %arg4[%swap3A_451, %swap3A_452] : memref<8192x128xf32, #tpu.memory_space<vmem>>, vector<8192x64xf32>
      tpu.vector_store %arg4[%swap3A_451, %swap3A_452], %broadcast_in_dim3A_450 {strides = array<i32>} : memref<8192x128xf32, #tpu.memory_space<vmem>>, vector<8192x64xf32>,
    } else {
    }
    %get3A = arith.constant 0 : index
    %get3A_2 = arith.constant 0 : index
    %get3A_3 = vector.load %arg1[%get3A, %get3A_2] : memref<2048x64xf32, #tpu.memory_space<vmem>>, vector<2048x64xf32>
    %mul3A = arith.mulf %get3A_3, %get3A_3 : vector<2048x64xf32>
    %reduce_sum3A = arith.constant dense<0.000000e+00> : vector<2048xf32>
    %reduce_sum3A_4 = vector.multi_reduction <add>, %mul3A, %reduce_sum3A [1] : vector<2048x64xf32> to vector<2048xf32>
    %broadcast_in_dim3A = vector.shape_cast %reduce_sum3A_4 : vector<2048xf32> to vector<2048x1xf32>
    %sqrt3A = math.sqrt %broadcast_in_dim3A : vector<2048x1xf32>
    %max3A = arith.constant 9.99999996E-13 : f32
    %max3A_5 = vector.broadcast %max3A : f32 to vector<2048x1xf32>
    %max3A_6 = arith.maximumf %sqrt3A, %max3A_5 : vector<2048x1xf32>
    %div3A = vector.broadcast %max3A_6 : vector<2048x1xf32> to vector<2048x64xf32>
    %div3A_7 = arith.divf %get3A_3, %div3A : vector<2048x64xf32>
    %convert_element_type3A_8 = arith.truncf %div3A_7 : vector<2048x64xf32> to vector<2048x64xbf16>
    %broadcast_in_dim3A_9 = arith.constant 0xFF800000 : f32
    %broadcast_in_dim3A_10 = vector.broadcast %broadcast_in_dim3A_9 : f32 to vector<2048x128xf32>
    %broadcast_in_dim3A_11 = arith.constant 0.000000e+00 : f32
    %broadcast_in_dim3A_12 = vector.broadcast %broadcast_in_dim3A_11 : f32 to vector<2048x128xf32>
    %get3A_13 = arith.constant 0 : index
    %get3A_14 = arith.constant 0 : index
    %get3A_15 = vector.load %arg5[%get3A_13, %get3A_14] : memref<8192x64xbf16, #tpu.memory_space<vmem>>, vector<2048x64xbf16>
    %dot_general3A = arith.constant dense<0.000000e+00> : vector<2048x2048xf32>
    %dot_general3A_16 = tpu.matmul %convert_element_type3A_8, %get3A_15, %dot_general3A {dimension_numbers = #tpu.dot_dimension_numbers<[1], [1], [0], [0], [0, 0, 1, 0], [], []>, transpose_lhs_hint = false} : vector<2048x64xbf16>, vector<2048x64xbf16>, vector<2048x2048xf32> -> vector<2048x2048xf32>
    %slice3A = vector.extract_strided_slice %dot_general3A_16 {offsets = [0, 0], sizes = [2048, 128], strides = [1, 1]} : vector<2048x2048xf32> to vector<2048x128xf32>
    %gt3A = arith.cmpf ogt, %slice3A, %broadcast_in_dim3A_10 : vector<2048x128xf32>
    %jit3A = arith.constant 0.000000e+00 : f32
    %broadcast_in_dim3A_17 = vector.broadcast %jit3A : f32 to vector<2048x128xf32>
    %select_n3A = arith.select %gt3A, %broadcast_in_dim3A_17, %broadcast_in_dim3A_12 : vector<2048x128xi1>, vector<2048x128xf32>
    %select_n3A_18 = arith.select %gt3A, %slice3A, %broadcast_in_dim3A_10 : vector<2048x128xi1>, vector<2048x128xf32>
    %slice3A_19 = vector.extract_strided_slice %dot_general3A_16 {offsets = [0, 128], sizes = [2048, 128], strides = [1, 1]} : vector<2048x2048xf32> to vector<2048x128xf32>
    %gt3A_20 = arith.cmpf ogt, %slice3A_19, %select_n3A_18 : vector<2048x128xf32>
    %jit3A_21 = arith.constant 1.000000e+00 : f32
    %broadcast_in_dim3A_22 = vector.broadcast %jit3A_21 : f32 to vector<2048x128xf32>
    %select_n3A_23 = arith.select %gt3A_20, %broadcast_in_dim3A_22, %select_n3A : vector<2048x128xi1>, vector<2048x128xf32>
    %select_n3A_24 = arith.select %gt3A_20, %slice3A_19, %select_n3A_18 : vector<2048x128xi1>, vector<2048x128xf32>
    %slice3A_25 = vector.extract_strided_slice %dot_general3A_16 {offsets = [0, 256], sizes = [2048, 128], strides = [1, 1]} : vector<2048x2048xf32> to vector<2048x128xf32>
    %gt3A_26 = arith.cmpf ogt, %slice3A_25, %select_n3A_24 : vector<2048x128xf32>
    %jit3A_27 = arith.constant 2.000000e+00 : f32
    %broadcast_in_dim3A_28 = vector.broadcast %jit3A_27 : f32 to vector<2048x128xf32>
    %select_n3A_29 = arith.select %gt3A_26, %broadcast_in_dim3A_28, %select_n3A_23 : vector<2048x128xi1>, vector<2048x128xf32>
    %select_n3A_30 = arith.select %gt3A_26, %slice3A_25, %select_n3A_24 : vector<2048x128xi1>, vector<2048x128xf32>
    %slice3A_31 = vector.extract_strided_slice %dot_general3A_16 {offsets = [0, 384], sizes = [2048, 128], strides = [1, 1]} : vector<2048x2048xf32> to vector<2048x128xf32>
    %gt3A_32 = arith.cmpf ogt, %slice3A_31, %select_n3A_30 : vector<2048x128xf32>
    %jit3A_33 = arith.constant 3.000000e+00 : f32
    %broadcast_in_dim3A_34 = vector.broadcast %jit3A_33 : f32 to vector<2048x128xf32>
    %select_n3A_35 = arith.select %gt3A_32, %broadcast_in_dim3A_34, %select_n3A_29 : vector<2048x128xi1>, vector<2048x128xf32>
    %select_n3A_36 = arith.select %gt3A_32, %slice3A_31, %select_n3A_30 : vector<2048x128xi1>, vector<2048x128xf32>
    %slice3A_37 = vector.extract_strided_slice %dot_general3A_16 {offsets = [0, 512], sizes = [2048, 128], strides = [1, 1]} : vector<2048x2048xf32> to vector<2048x128xf32>
    %gt3A_38 = arith.cmpf ogt, %slice3A_37, %select_n3A_36 : vector<2048x128xf32>
    %jit3A_39 = arith.constant 4.000000e+00 : f32
    %broadcast_in_dim3A_40 = vector.broadcast %jit3A_39 : f32 to vector<2048x128xf32>
    %select_n3A_41 = arith.select %gt3A_38, %broadcast_in_dim3A_40, %select_n3A_35 : vector<2048x128xi1>, vector<2048x128xf32>
    %select_n3A_42 = arith.select %gt3A_38, %slice3A_37, %select_n3A_36 : vector<2048x128xi1>, vector<2048x128xf32>
    %slice3A_43 = vector.extract_strided_slice %dot_general3A_16 {offsets = [0, 640], sizes = [2048, 128], strides = [1, 1]} : vector<2048x2048xf32> to vector<2048x128xf32>
    %gt3A_44 = arith.cmpf ogt, %slice3A_43, %select_n3A_42 : vector<2048x128xf32>
    %jit3A_45 = arith.constant 5.000000e+00 : f32
    %broadcast_in_dim3A_46 = vector.broadcast %jit3A_45 : f32 to vector<2048x128xf32>
    %select_n3A_47 = arith.select %gt3A_44, %broadcast_in_dim3A_46, %select_n3A_41 : vector<2048x128xi1>, vector<2048x128xf32>
    %select_n3A_48 = arith.select %gt3A_44, %slice3A_43, %select_n3A_42 : vector<2048x128xi1>, vector<2048x128xf32>
    %slice3A_49 = vector.extract_strided_slice %dot_general3A_16 {offsets = [0, 768], sizes = [2048, 128], strides = [1, 1]} : vector<2048x2048xf32> to vector<2048x128xf32>
    %gt3A_50 = arith.cmpf ogt, %slice3A_49, %select_n3A_48 : vector<2048x128xf32>
    %jit3A_51 = arith.constant 6.000000e+00 : f32
    %broadcast_in_dim3A_52 = vector.broadcast %jit3A_51 : f32 to vector<2048x128xf32>
    %select_n3A_53 = arith.select %gt3A_50, %broadcast_in_dim3A_52, %select_n3A_47 : vector<2048x128xi1>, vector<2048x128xf32>
    %select_n3A_54 = arith.select %gt3A_50, %slice3A_49, %select_n3A_48 : vector<2048x128xi1>, vector<2048x128xf32>
    %slice3A_55 = vector.extract_strided_slice %dot_general3A_16 {offsets = [0, 896], sizes = [2048, 128], strides = [1, 1]} : vector<2048x2048xf32> to vector<2048x128xf32>
    %gt3A_56 = arith.cmpf ogt, %slice3A_55, %select_n3A_54 : vector<2048x128xf32>
    %jit3A_57 = arith.constant 7.000000e+00 : f32
    %broadcast_in_dim3A_58 = vector.broadcast %jit3A_57 : f32 to vector<2048x128xf32>
    %select_n3A_59 = arith.select %gt3A_56, %broadcast_in_dim3A_58, %select_n3A_53 : vector<2048x128xi1>, vector<2048x128xf32>
    %select_n3A_60 = arith.select %gt3A_56, %slice3A_55, %select_n3A_54 : vector<2048x128xi1>, vector<2048x128xf32>
    %slice3A_61 = vector.extract_strided_slice %dot_general3A_16 {offsets = [0, 1024], sizes = [2048, 128], strides = [1, 1]} : vector<2048x2048xf32> to vector<2048x128xf32>
    %gt3A_62 = arith.cmpf ogt, %slice3A_61, %select_n3A_60 : vector<2048x128xf32>
    %jit3A_63 = arith.constant 8.000000e+00 : f32
    %broadcast_in_dim3A_64 = vector.broadcast %jit3A_63 : f32 to vector<2048x128xf32>
    %select_n3A_65 = arith.select %gt3A_62, %broadcast_in_dim3A_64, %select_n3A_59 : vector<2048x128xi1>, vector<2048x128xf32>
    %select_n3A_66 = arith.select %gt3A_62, %slice3A_61, %select_n3A_60 : vector<2048x128xi1>, vector<2048x128xf32>
    %slice3A_67 = vector.extract_strided_slice %dot_general3A_16 {offsets = [0, 1152], sizes = [2048, 128], strides = [1, 1]} : vector<2048x2048xf32> to vector<2048x128xf32>
    %gt3A_68 = arith.cmpf ogt, %slice3A_67, %select_n3A_66 : vector<2048x128xf32>
    %jit3A_69 = arith.constant 9.000000e+00 : f32
    %broadcast_in_dim3A_70 = vector.broadcast %jit3A_69 : f32 to vector<2048x128xf32>
    %select_n3A_71 = arith.select %gt3A_68, %broadcast_in_dim3A_70, %select_n3A_65 : vector<2048x128xi1>, vector<2048x128xf32>
    %select_n3A_72 = arith.select %gt3A_68, %slice3A_67, %select_n3A_66 : vector<2048x128xi1>, vector<2048x128xf32>
    %slice3A_73 = vector.extract_strided_slice %dot_general3A_16 {offsets = [0, 1280], sizes = [2048, 128], strides = [1, 1]} : vector<2048x2048xf32> to vector<2048x128xf32>
    %gt3A_74 = arith.cmpf ogt, %slice3A_73, %select_n3A_72 : vector<2048x128xf32>
    %jit3A_75 = arith.constant 1.000000e+01 : f32
    %broadcast_in_dim3A_76 = vector.broadcast %jit3A_75 : f32 to vector<2048x128xf32>
    %select_n3A_77 = arith.select %gt3A_74, %broadcast_in_dim3A_76, %select_n3A_71 : vector<2048x128xi1>, vector<2048x128xf32>
    %select_n3A_78 = arith.select %gt3A_74, %slice3A_73, %select_n3A_72 : vector<2048x128xi1>, vector<2048x128xf32>
    %slice3A_79 = vector.extract_strided_slice %dot_general3A_16 {offsets = [0, 1408], sizes = [2048, 128], strides = [1, 1]} : vector<2048x2048xf32> to vector<2048x128xf32>
    %gt3A_80 = arith.cmpf ogt, %slice3A_79, %select_n3A_78 : vector<2048x128xf32>
    %jit3A_81 = arith.constant 1.100000e+01 : f32
    %broadcast_in_dim3A_82 = vector.broadcast %jit3A_81 : f32 to vector<2048x128xf32>
    %select_n3A_83 = arith.select %gt3A_80, %broadcast_in_dim3A_82, %select_n3A_77 : vector<2048x128xi1>, vector<2048x128xf32>
    %select_n3A_84 = arith.select %gt3A_80, %slice3A_79, %select_n3A_78 : vector<2048x128xi1>, vector<2048x128xf32>
    %slice3A_85 = vector.extract_strided_slice %dot_general3A_16 {offsets = [0, 1536], sizes = [2048, 128], strides = [1, 1]} : vector<2048x2048xf32> to vector<2048x128xf32>
    %gt3A_86 = arith.cmpf ogt, %slice3A_85, %select_n3A_84 : vector<2048x128xf32>
    %jit3A_87 = arith.constant 1.200000e+01 : f32
    %broadcast_in_dim3A_88 = vector.broadcast %jit3A_87 : f32 to vector<2048x128xf32>
    %select_n3A_89 = arith.select %gt3A_86, %broadcast_in_dim3A_88, %select_n3A_83 : vector<2048x128xi1>, vector<2048x128xf32>
    %select_n3A_90 = arith.select %gt3A_86, %slice3A_85, %select_n3A_84 : vector<2048x128xi1>, vector<2048x128xf32>
    %slice3A_91 = vector.extract_strided_slice %dot_general3A_16 {offsets = [0, 1664], sizes = [2048, 128], strides = [1, 1]} : vector<2048x2048xf32> to vector<2048x128xf32>
    %gt3A_92 = arith.cmpf ogt, %slice3A_91, %select_n3A_90 : vector<2048x128xf32>
    %jit3A_93 = arith.constant 1.300000e+01 : f32
    %broadcast_in_dim3A_94 = vector.broadcast %jit3A_93 : f32 to vector<2048x128xf32>
    %select_n3A_95 = arith.select %gt3A_92, %broadcast_in_dim3A_94, %select_n3A_89 : vector<2048x128xi1>, vector<2048x128xf32>
    %select_n3A_96 = arith.select %gt3A_92, %slice3A_91, %select_n3A_90 : vector<2048x128xi1>, vector<2048x128xf32>
    %slice3A_97 = vector.extract_strided_slice %dot_general3A_16 {offsets = [0, 1792], sizes = [2048, 128], strides = [1, 1]} : vector<2048x2048xf32> to vector<2048x128xf32>
    %gt3A_98 = arith.cmpf ogt, %slice3A_97, %select_n3A_96 : vector<2048x128xf32>
    %jit3A_99 = arith.constant 1.400000e+01 : f32
    %broadcast_in_dim3A_100 = vector.broadcast %jit3A_99 : f32 to vector<2048x128xf32>
    %select_n3A_101 = arith.select %gt3A_98, %broadcast_in_dim3A_100, %select_n3A_95 : vector<2048x128xi1>, vector<2048x128xf32>
    %select_n3A_102 = arith.select %gt3A_98, %slice3A_97, %select_n3A_96 : vector<2048x128xi1>, vector<2048x128xf32>
    %slice3A_103 = vector.extract_strided_slice %dot_general3A_16 {offsets = [0, 1920], sizes = [2048, 128], strides = [1, 1]} : vector<2048x2048xf32> to vector<2048x128xf32>
    %gt3A_104 = arith.cmpf ogt, %slice3A_103, %select_n3A_102 : vector<2048x128xf32>
    %jit3A_105 = arith.constant 1.500000e+01 : f32
    %broadcast_in_dim3A_106 = vector.broadcast %jit3A_105 : f32 to vector<2048x128xf32>
    %select_n3A_107 = arith.select %gt3A_104, %broadcast_in_dim3A_106, %select_n3A_101 : vector<2048x128xi1>, vector<2048x128xf32>
    %select_n3A_108 = arith.select %gt3A_104, %slice3A_103, %select_n3A_102 : vector<2048x128xi1>, vector<2048x128xf32>
    %get3A_109 = arith.constant 2048 : index
    %get3A_110 = arith.constant 0 : index
    %get3A_111 = vector.load %arg5[%get3A_109, %get3A_110] : memref<8192x64xbf16, #tpu.memory_space<vmem>>, vector<2048x64xbf16>
    %dot_general3A_112 = arith.constant dense<0.000000e+00> : vector<2048x2048xf32>
    %dot_general3A_113 = tpu.matmul %convert_element_type3A_8, %get3A_111, %dot_general3A_112 {dimension_numbers = #tpu.dot_dimension_numbers<[1], [1], [0], [0], [0, 0, 1, 0], [], []>, transpose_lhs_hint = false} : vector<2048x64xbf16>, vector<2048x64xbf16>, vector<2048x2048xf32> -> vector<2048x2048xf32>
    %slice3A_114 = vector.extract_strided_slice %dot_general3A_113 {offsets = [0, 0], sizes = [2048, 128], strides = [1, 1]} : vector<2048x2048xf32> to vector<2048x128xf32>
    %gt3A_115 = arith.cmpf ogt, %slice3A_114, %select_n3A_108 : vector<2048x128xf32>
    %jit3A_116 = arith.constant 1.600000e+01 : f32
    %broadcast_in_dim3A_117 = vector.broadcast %jit3A_116 : f32 to vector<2048x128xf32>
    %select_n3A_118 = arith.select %gt3A_115, %broadcast_in_dim3A_117, %select_n3A_107 : vector<2048x128xi1>, vector<2048x128xf32>
    %select_n3A_119 = arith.select %gt3A_115, %slice3A_114, %select_n3A_108 : vector<2048x128xi1>, vector<2048x128xf32>
    %slice3A_120 = vector.extract_strided_slice %dot_general3A_113 {offsets = [0, 128], sizes = [2048, 128], strides = [1, 1]} : vector<2048x2048xf32> to vector<2048x128xf32>
    %gt3A_121 = arith.cmpf ogt, %slice3A_120, %select_n3A_119 : vector<2048x128xf32>
    %jit3A_122 = arith.constant 1.700000e+01 : f32
    %broadcast_in_dim3A_123 = vector.broadcast %jit3A_122 : f32 to vector<2048x128xf32>
    %select_n3A_124 = arith.select %gt3A_121, %broadcast_in_dim3A_123, %select_n3A_118 : vector<2048x128xi1>, vector<2048x128xf32>
    %select_n3A_125 = arith.select %gt3A_121, %slice3A_120, %select_n3A_119 : vector<2048x128xi1>, vector<2048x128xf32>
    %slice3A_126 = vector.extract_strided_slice %dot_general3A_113 {offsets = [0, 256], sizes = [2048, 128], strides = [1, 1]} : vector<2048x2048xf32> to vector<2048x128xf32>
    %gt3A_127 = arith.cmpf ogt, %slice3A_126, %select_n3A_125 : vector<2048x128xf32>
    %jit3A_128 = arith.constant 1.800000e+01 : f32
    %broadcast_in_dim3A_129 = vector.broadcast %jit3A_128 : f32 to vector<2048x128xf32>
    %select_n3A_130 = arith.select %gt3A_127, %broadcast_in_dim3A_129, %select_n3A_124 : vector<2048x128xi1>, vector<2048x128xf32>
    %select_n3A_131 = arith.select %gt3A_127, %slice3A_126, %select_n3A_125 : vector<2048x128xi1>, vector<2048x128xf32>
    %slice3A_132 = vector.extract_strided_slice %dot_general3A_113 {offsets = [0, 384], sizes = [2048, 128], strides = [1, 1]} : vector<2048x2048xf32> to vector<2048x128xf32>
    %gt3A_133 = arith.cmpf ogt, %slice3A_132, %select_n3A_131 : vector<2048x128xf32>
    %jit3A_134 = arith.constant 1.900000e+01 : f32
    %broadcast_in_dim3A_135 = vector.broadcast %jit3A_134 : f32 to vector<2048x128xf32>
    %select_n3A_136 = arith.select %gt3A_133, %broadcast_in_dim3A_135, %select_n3A_130 : vector<2048x128xi1>, vector<2048x128xf32>
    %select_n3A_137 = arith.select %gt3A_133, %slice3A_132, %select_n3A_131 : vector<2048x128xi1>, vector<2048x128xf32>
    %slice3A_138 = vector.extract_strided_slice %dot_general3A_113 {offsets = [0, 512], sizes = [2048, 128], strides = [1, 1]} : vector<2048x2048xf32> to vector<2048x128xf32>
    %gt3A_139 = arith.cmpf ogt, %slice3A_138, %select_n3A_137 : vector<2048x128xf32>
    %jit3A_140 = arith.constant 2.000000e+01 : f32
    %broadcast_in_dim3A_141 = vector.broadcast %jit3A_140 : f32 to vector<2048x128xf32>
    %select_n3A_142 = arith.select %gt3A_139, %broadcast_in_dim3A_141, %select_n3A_136 : vector<2048x128xi1>, vector<2048x128xf32>
    %select_n3A_143 = arith.select %gt3A_139, %slice3A_138, %select_n3A_137 : vector<2048x128xi1>, vector<2048x128xf32>
    %slice3A_144 = vector.extract_strided_slice %dot_general3A_113 {offsets = [0, 640], sizes = [2048, 128], strides = [1, 1]} : vector<2048x2048xf32> to vector<2048x128xf32>
    %gt3A_145 = arith.cmpf ogt, %slice3A_144, %select_n3A_143 : vector<2048x128xf32>
    %jit3A_146 = arith.constant 2.100000e+01 : f32
    %broadcast_in_dim3A_147 = vector.broadcast %jit3A_146 : f32 to vector<2048x128xf32>
    %select_n3A_148 = arith.select %gt3A_145, %broadcast_in_dim3A_147, %select_n3A_142 : vector<2048x128xi1>, vector<2048x128xf32>
    %select_n3A_149 = arith.select %gt3A_145, %slice3A_144, %select_n3A_143 : vector<2048x128xi1>, vector<2048x128xf32>
    %slice3A_150 = vector.extract_strided_slice %dot_general3A_113 {offsets = [0, 768], sizes = [2048, 128], strides = [1, 1]} : vector<2048x2048xf32> to vector<2048x128xf32>
    %gt3A_151 = arith.cmpf ogt, %slice3A_150, %select_n3A_149 : vector<2048x128xf32>
    %jit3A_152 = arith.constant 2.200000e+01 : f32
    %broadcast_in_dim3A_153 = vector.broadcast %jit3A_152 : f32 to vector<2048x128xf32>
    %select_n3A_154 = arith.select %gt3A_151, %broadcast_in_dim3A_153, %select_n3A_148 : vector<2048x128xi1>, vector<2048x128xf32>
    %select_n3A_155 = arith.select %gt3A_151, %slice3A_150, %select_n3A_149 : vector<2048x128xi1>, vector<2048x128xf32>
    %slice3A_156 = vector.extract_strided_slice %dot_general3A_113 {offsets = [0, 896], sizes = [2048, 128], strides = [1, 1]} : vector<2048x2048xf32> to vector<2048x128xf32>
    %gt3A_157 = arith.cmpf ogt, %slice3A_156, %select_n3A_155 : vector<2048x128xf32>
    %jit3A_158 = arith.constant 2.300000e+01 : f32
    %broadcast_in_dim3A_159 = vector.broadcast %jit3A_158 : f32 to vector<2048x128xf32>
    %select_n3A_160 = arith.select %gt3A_157, %broadcast_in_dim3A_159, %select_n3A_154 : vector<2048x128xi1>, vector<2048x128xf32>
    %select_n3A_161 = arith.select %gt3A_157, %slice3A_156, %select_n3A_155 : vector<2048x128xi1>, vector<2048x128xf32>
    %slice3A_162 = vector.extract_strided_slice %dot_general3A_113 {offsets = [0, 1024], sizes = [2048, 128], strides = [1, 1]} : vector<2048x2048xf32> to vector<2048x128xf32>
    %gt3A_163 = arith.cmpf ogt, %slice3A_162, %select_n3A_161 : vector<2048x128xf32>
    %jit3A_164 = arith.constant 2.400000e+01 : f32
    %broadcast_in_dim3A_165 = vector.broadcast %jit3A_164 : f32 to vector<2048x128xf32>
    %select_n3A_166 = arith.select %gt3A_163, %broadcast_in_dim3A_165, %select_n3A_160 : vector<2048x128xi1>, vector<2048x128xf32>
    %select_n3A_167 = arith.select %gt3A_163, %slice3A_162, %select_n3A_161 : vector<2048x128xi1>, vector<2048x128xf32>
    %slice3A_168 = vector.extract_strided_slice %dot_general3A_113 {offsets = [0, 1152], sizes = [2048, 128], strides = [1, 1]} : vector<2048x2048xf32> to vector<2048x128xf32>
    %gt3A_169 = arith.cmpf ogt, %slice3A_168, %select_n3A_167 : vector<2048x128xf32>
    %jit3A_170 = arith.constant 2.500000e+01 : f32
    %broadcast_in_dim3A_171 = vector.broadcast %jit3A_170 : f32 to vector<2048x128xf32>
    %select_n3A_172 = arith.select %gt3A_169, %broadcast_in_dim3A_171, %select_n3A_166 : vector<2048x128xi1>, vector<2048x128xf32>
    %select_n3A_173 = arith.select %gt3A_169, %slice3A_168, %select_n3A_167 : vector<2048x128xi1>, vector<2048x128xf32>
    %slice3A_174 = vector.extract_strided_slice %dot_general3A_113 {offsets = [0, 1280], sizes = [2048, 128], strides = [1, 1]} : vector<2048x2048xf32> to vector<2048x128xf32>
    %gt3A_175 = arith.cmpf ogt, %slice3A_174, %select_n3A_173 : vector<2048x128xf32>
    %jit3A_176 = arith.constant 2.600000e+01 : f32
    %broadcast_in_dim3A_177 = vector.broadcast %jit3A_176 : f32 to vector<2048x128xf32>
    %select_n3A_178 = arith.select %gt3A_175, %broadcast_in_dim3A_177, %select_n3A_172 : vector<2048x128xi1>, vector<2048x128xf32>
    %select_n3A_179 = arith.select %gt3A_175, %slice3A_174, %select_n3A_173 : vector<2048x128xi1>, vector<2048x128xf32>
    %slice3A_180 = vector.extract_strided_slice %dot_general3A_113 {offsets = [0, 1408], sizes = [2048, 128], strides = [1, 1]} : vector<2048x2048xf32> to vector<2048x128xf32>
    %gt3A_181 = arith.cmpf ogt, %slice3A_180, %select_n3A_179 : vector<2048x128xf32>
    %jit3A_182 = arith.constant 2.700000e+01 : f32
    %broadcast_in_dim3A_183 = vector.broadcast %jit3A_182 : f32 to vector<2048x128xf32>
    %select_n3A_184 = arith.select %gt3A_181, %broadcast_in_dim3A_183, %select_n3A_178 : vector<2048x128xi1>, vector<2048x128xf32>
    %select_n3A_185 = arith.select %gt3A_181, %slice3A_180, %select_n3A_179 : vector<2048x128xi1>, vector<2048x128xf32>
    %slice3A_186 = vector.extract_strided_slice %dot_general3A_113 {offsets = [0, 1536], sizes = [2048, 128], strides = [1, 1]} : vector<2048x2048xf32> to vector<2048x128xf32>
    %gt3A_187 = arith.cmpf ogt, %slice3A_186, %select_n3A_185 : vector<2048x128xf32>
    %jit3A_188 = arith.constant 2.800000e+01 : f32
    %broadcast_in_dim3A_189 = vector.broadcast %jit3A_188 : f32 to vector<2048x128xf32>
    %select_n3A_190 = arith.select %gt3A_187, %broadcast_in_dim3A_189, %select_n3A_184 : vector<2048x128xi1>, vector<2048x128xf32>
    %select_n3A_191 = arith.select %gt3A_187, %slice3A_186, %select_n3A_185 : vector<2048x128xi1>, vector<2048x128xf32>
    %slice3A_192 = vector.extract_strided_slice %dot_general3A_113 {offsets = [0, 1664], sizes = [2048, 128], strides = [1, 1]} : vector<2048x2048xf32> to vector<2048x128xf32>
    %gt3A_193 = arith.cmpf ogt, %slice3A_192, %select_n3A_191 : vector<2048x128xf32>
    %jit3A_194 = arith.constant 2.900000e+01 : f32
    %broadcast_in_dim3A_195 = vector.broadcast %jit3A_194 : f32 to vector<2048x128xf32>
    %select_n3A_196 = arith.select %gt3A_193, %broadcast_in_dim3A_195, %select_n3A_190 : vector<2048x128xi1>, vector<2048x128xf32>
    %select_n3A_197 = arith.select %gt3A_193, %slice3A_192, %select_n3A_191 : vector<2048x128xi1>, vector<2048x128xf32>
    %slice3A_198 = vector.extract_strided_slice %dot_general3A_113 {offsets = [0, 1792], sizes = [2048, 128], strides = [1, 1]} : vector<2048x2048xf32> to vector<2048x128xf32>
    %gt3A_199 = arith.cmpf ogt, %slice3A_198, %select_n3A_197 : vector<2048x128xf32>
    %jit3A_200 = arith.constant 3.000000e+01 : f32
    %broadcast_in_dim3A_201 = vector.broadcast %jit3A_200 : f32 to vector<2048x128xf32>
    %select_n3A_202 = arith.select %gt3A_199, %broadcast_in_dim3A_201, %select_n3A_196 : vector<2048x128xi1>, vector<2048x128xf32>
    %select_n3A_203 = arith.select %gt3A_199, %slice3A_198, %select_n3A_197 : vector<2048x128xi1>, vector<2048x128xf32>
    %slice3A_204 = vector.extract_strided_slice %dot_general3A_113 {offsets = [0, 1920], sizes = [2048, 128], strides = [1, 1]} : vector<2048x2048xf32> to vector<2048x128xf32>
    %gt3A_205 = arith.cmpf ogt, %slice3A_204, %select_n3A_203 : vector<2048x128xf32>
    %jit3A_206 = arith.constant 3.100000e+01 : f32
    %broadcast_in_dim3A_207 = vector.broadcast %jit3A_206 : f32 to vector<2048x128xf32>
    %select_n3A_208 = arith.select %gt3A_205, %broadcast_in_dim3A_207, %select_n3A_202 : vector<2048x128xi1>, vector<2048x128xf32>
    %select_n3A_209 = arith.select %gt3A_205, %slice3A_204, %select_n3A_203 : vector<2048x128xi1>, vector<2048x128xf32>
    %get3A_210 = arith.constant 4096 : index
    %get3A_211 = arith.constant 0 : index
    %get3A_212 = vector.load %arg5[%get3A_210, %get3A_211] : memref<8192x64xbf16, #tpu.memory_space<vmem>>, vector<2048x64xbf16>
    %dot_general3A_213 = arith.constant dense<0.000000e+00> : vector<2048x2048xf32>
    %dot_general3A_214 = tpu.matmul %convert_element_type3A_8, %get3A_212, %dot_general3A_213 {dimension_numbers = #tpu.dot_dimension_numbers<[1], [1], [0], [0], [0, 0, 1, 0], [], []>, transpose_lhs_hint = false} : vector<2048x64xbf16>, vector<2048x64xbf16>, vector<2048x2048xf32> -> vector<2048x2048xf32>
    %slice3A_215 = vector.extract_strided_slice %dot_general3A_214 {offsets = [0, 0], sizes = [2048, 128], strides = [1, 1]} : vector<2048x2048xf32> to vector<2048x128xf32>
    %gt3A_216 = arith.cmpf ogt, %slice3A_215, %select_n3A_209 : vector<2048x128xf32>
    %jit3A_217 = arith.constant 3.200000e+01 : f32
    %broadcast_in_dim3A_218 = vector.broadcast %jit3A_217 : f32 to vector<2048x128xf32>
    %select_n3A_219 = arith.select %gt3A_216, %broadcast_in_dim3A_218, %select_n3A_208 : vector<2048x128xi1>, vector<2048x128xf32>
    %select_n3A_220 = arith.select %gt3A_216, %slice3A_215, %select_n3A_209 : vector<2048x128xi1>, vector<2048x128xf32>
    %slice3A_221 = vector.extract_strided_slice %dot_general3A_214 {offsets = [0, 128], sizes = [2048, 128], strides = [1, 1]} : vector<2048x2048xf32> to vector<2048x128xf32>
    %gt3A_222 = arith.cmpf ogt, %slice3A_221, %select_n3A_220 : vector<2048x128xf32>
    %jit3A_223 = arith.constant 3.300000e+01 : f32
    %broadcast_in_dim3A_224 = vector.broadcast %jit3A_223 : f32 to vector<2048x128xf32>
    %select_n3A_225 = arith.select %gt3A_222, %broadcast_in_dim3A_224, %select_n3A_219 : vector<2048x128xi1>, vector<2048x128xf32>
    %select_n3A_226 = arith.select %gt3A_222, %slice3A_221, %select_n3A_220 : vector<2048x128xi1>, vector<2048x128xf32>
    %slice3A_227 = vector.extract_strided_slice %dot_general3A_214 {offsets = [0, 256], sizes = [2048, 128], strides = [1, 1]} : vector<2048x2048xf32> to vector<2048x128xf32>
    %gt3A_228 = arith.cmpf ogt, %slice3A_227, %select_n3A_226 : vector<2048x128xf32>
    %jit3A_229 = arith.constant 3.400000e+01 : f32
    %broadcast_in_dim3A_230 = vector.broadcast %jit3A_229 : f32 to vector<2048x128xf32>
    %select_n3A_231 = arith.select %gt3A_228, %broadcast_in_dim3A_230, %select_n3A_225 : vector<2048x128xi1>, vector<2048x128xf32>
    %select_n3A_232 = arith.select %gt3A_228, %slice3A_227, %select_n3A_226 : vector<2048x128xi1>, vector<2048x128xf32>
    %slice3A_233 = vector.extract_strided_slice %dot_general3A_214 {offsets = [0, 384], sizes = [2048, 128], strides = [1, 1]} : vector<2048x2048xf32> to vector<2048x128xf32>
    %gt3A_234 = arith.cmpf ogt, %slice3A_233, %select_n3A_232 : vector<2048x128xf32>
    %jit3A_235 = arith.constant 3.500000e+01 : f32
    %broadcast_in_dim3A_236 = vector.broadcast %jit3A_235 : f32 to vector<2048x128xf32>
    %select_n3A_237 = arith.select %gt3A_234, %broadcast_in_dim3A_236, %select_n3A_231 : vector<2048x128xi1>, vector<2048x128xf32>
    %select_n3A_238 = arith.select %gt3A_234, %slice3A_233, %select_n3A_232 : vector<2048x128xi1>, vector<2048x128xf32>
    %slice3A_239 = vector.extract_strided_slice %dot_general3A_214 {offsets = [0, 512], sizes = [2048, 128], strides = [1, 1]} : vector<2048x2048xf32> to vector<2048x128xf32>
    %gt3A_240 = arith.cmpf ogt, %slice3A_239, %select_n3A_238 : vector<2048x128xf32>
    %jit3A_241 = arith.constant 3.600000e+01 : f32
    %broadcast_in_dim3A_242 = vector.broadcast %jit3A_241 : f32 to vector<2048x128xf32>
    %select_n3A_243 = arith.select %gt3A_240, %broadcast_in_dim3A_242, %select_n3A_237 : vector<2048x128xi1>, vector<2048x128xf32>
    %select_n3A_244 = arith.select %gt3A_240, %slice3A_239, %select_n3A_238 : vector<2048x128xi1>, vector<2048x128xf32>
    %slice3A_245 = vector.extract_strided_slice %dot_general3A_214 {offsets = [0, 640], sizes = [2048, 128], strides = [1, 1]} : vector<2048x2048xf32> to vector<2048x128xf32>
    %gt3A_246 = arith.cmpf ogt, %slice3A_245, %select_n3A_244 : vector<2048x128xf32>
    %jit3A_247 = arith.constant 3.700000e+01 : f32
    %broadcast_in_dim3A_248 = vector.broadcast %jit3A_247 : f32 to vector<2048x128xf32>
    %select_n3A_249 = arith.select %gt3A_246, %broadcast_in_dim3A_248, %select_n3A_243 : vector<2048x128xi1>, vector<2048x128xf32>
    %select_n3A_250 = arith.select %gt3A_246, %slice3A_245, %select_n3A_244 : vector<2048x128xi1>, vector<2048x128xf32>
    %slice3A_251 = vector.extract_strided_slice %dot_general3A_214 {offsets = [0, 768], sizes = [2048, 128], strides = [1, 1]} : vector<2048x2048xf32> to vector<2048x128xf32>
    %gt3A_252 = arith.cmpf ogt, %slice3A_251, %select_n3A_250 : vector<2048x128xf32>
    %jit3A_253 = arith.constant 3.800000e+01 : f32
    %broadcast_in_dim3A_254 = vector.broadcast %jit3A_253 : f32 to vector<2048x128xf32>
    %select_n3A_255 = arith.select %gt3A_252, %broadcast_in_dim3A_254, %select_n3A_249 : vector<2048x128xi1>, vector<2048x128xf32>
    %select_n3A_256 = arith.select %gt3A_252, %slice3A_251, %select_n3A_250 : vector<2048x128xi1>, vector<2048x128xf32>
    %slice3A_257 = vector.extract_strided_slice %dot_general3A_214 {offsets = [0, 896], sizes = [2048, 128], strides = [1, 1]} : vector<2048x2048xf32> to vector<2048x128xf32>
    %gt3A_258 = arith.cmpf ogt, %slice3A_257, %select_n3A_256 : vector<2048x128xf32>
    %jit3A_259 = arith.constant 3.900000e+01 : f32
    %broadcast_in_dim3A_260 = vector.broadcast %jit3A_259 : f32 to vector<2048x128xf32>
    %select_n3A_261 = arith.select %gt3A_258, %broadcast_in_dim3A_260, %select_n3A_255 : vector<2048x128xi1>, vector<2048x128xf32>
    %select_n3A_262 = arith.select %gt3A_258, %slice3A_257, %select_n3A_256 : vector<2048x128xi1>, vector<2048x128xf32>
    %slice3A_263 = vector.extract_strided_slice %dot_general3A_214 {offsets = [0, 1024], sizes = [2048, 128], strides = [1, 1]} : vector<2048x2048xf32> to vector<2048x128xf32>
    %gt3A_264 = arith.cmpf ogt, %slice3A_263, %select_n3A_262 : vector<2048x128xf32>
    %jit3A_265 = arith.constant 4.000000e+01 : f32
    %broadcast_in_dim3A_266 = vector.broadcast %jit3A_265 : f32 to vector<2048x128xf32>
    %select_n3A_267 = arith.select %gt3A_264, %broadcast_in_dim3A_266, %select_n3A_261 : vector<2048x128xi1>, vector<2048x128xf32>
    %select_n3A_268 = arith.select %gt3A_264, %slice3A_263, %select_n3A_262 : vector<2048x128xi1>, vector<2048x128xf32>
    %slice3A_269 = vector.extract_strided_slice %dot_general3A_214 {offsets = [0, 1152], sizes = [2048, 128], strides = [1, 1]} : vector<2048x2048xf32> to vector<2048x128xf32>
    %gt3A_270 = arith.cmpf ogt, %slice3A_269, %select_n3A_268 : vector<2048x128xf32>
    %jit3A_271 = arith.constant 4.100000e+01 : f32
    %broadcast_in_dim3A_272 = vector.broadcast %jit3A_271 : f32 to vector<2048x128xf32>
    %select_n3A_273 = arith.select %gt3A_270, %broadcast_in_dim3A_272, %select_n3A_267 : vector<2048x128xi1>, vector<2048x128xf32>
    %select_n3A_274 = arith.select %gt3A_270, %slice3A_269, %select_n3A_268 : vector<2048x128xi1>, vector<2048x128xf32>
    %slice3A_275 = vector.extract_strided_slice %dot_general3A_214 {offsets = [0, 1280], sizes = [2048, 128], strides = [1, 1]} : vector<2048x2048xf32> to vector<2048x128xf32>
    %gt3A_276 = arith.cmpf ogt, %slice3A_275, %select_n3A_274 : vector<2048x128xf32>
    %jit3A_277 = arith.constant 4.200000e+01 : f32
    %broadcast_in_dim3A_278 = vector.broadcast %jit3A_277 : f32 to vector<2048x128xf32>
    %select_n3A_279 = arith.select %gt3A_276, %broadcast_in_dim3A_278, %select_n3A_273 : vector<2048x128xi1>, vector<2048x128xf32>
    %select_n3A_280 = arith.select %gt3A_276, %slice3A_275, %select_n3A_274 : vector<2048x128xi1>, vector<2048x128xf32>
    %slice3A_281 = vector.extract_strided_slice %dot_general3A_214 {offsets = [0, 1408], sizes = [2048, 128], strides = [1, 1]} : vector<2048x2048xf32> to vector<2048x128xf32>
    %gt3A_282 = arith.cmpf ogt, %slice3A_281, %select_n3A_280 : vector<2048x128xf32>
    %jit3A_283 = arith.constant 4.300000e+01 : f32
    %broadcast_in_dim3A_284 = vector.broadcast %jit3A_283 : f32 to vector<2048x128xf32>
    %select_n3A_285 = arith.select %gt3A_282, %broadcast_in_dim3A_284, %select_n3A_279 : vector<2048x128xi1>, vector<2048x128xf32>
    %select_n3A_286 = arith.select %gt3A_282, %slice3A_281, %select_n3A_280 : vector<2048x128xi1>, vector<2048x128xf32>
    %slice3A_287 = vector.extract_strided_slice %dot_general3A_214 {offsets = [0, 1536], sizes = [2048, 128], strides = [1, 1]} : vector<2048x2048xf32> to vector<2048x128xf32>
    %gt3A_288 = arith.cmpf ogt, %slice3A_287, %select_n3A_286 : vector<2048x128xf32>
    %jit3A_289 = arith.constant 4.400000e+01 : f32
    %broadcast_in_dim3A_290 = vector.broadcast %jit3A_289 : f32 to vector<2048x128xf32>
    %select_n3A_291 = arith.select %gt3A_288, %broadcast_in_dim3A_290, %select_n3A_285 : vector<2048x128xi1>, vector<2048x128xf32>
    %select_n3A_292 = arith.select %gt3A_288, %slice3A_287, %select_n3A_286 : vector<2048x128xi1>, vector<2048x128xf32>
    %slice3A_293 = vector.extract_strided_slice %dot_general3A_214 {offsets = [0, 1664], sizes = [2048, 128], strides = [1, 1]} : vector<2048x2048xf32> to vector<2048x128xf32>
    %gt3A_294 = arith.cmpf ogt, %slice3A_293, %select_n3A_292 : vector<2048x128xf32>
    %jit3A_295 = arith.constant 4.500000e+01 : f32
    %broadcast_in_dim3A_296 = vector.broadcast %jit3A_295 : f32 to vector<2048x128xf32>
    %select_n3A_297 = arith.select %gt3A_294, %broadcast_in_dim3A_296, %select_n3A_291 : vector<2048x128xi1>, vector<2048x128xf32>
    %select_n3A_298 = arith.select %gt3A_294, %slice3A_293, %select_n3A_292 : vector<2048x128xi1>, vector<2048x128xf32>
    %slice3A_299 = vector.extract_strided_slice %dot_general3A_214 {offsets = [0, 1792], sizes = [2048, 128], strides = [1, 1]} : vector<2048x2048xf32> to vector<2048x128xf32>
    %gt3A_300 = arith.cmpf ogt, %slice3A_299, %select_n3A_298 : vector<2048x128xf32>
    %jit3A_301 = arith.constant 4.600000e+01 : f32
    %broadcast_in_dim3A_302 = vector.broadcast %jit3A_301 : f32 to vector<2048x128xf32>
    %select_n3A_303 = arith.select %gt3A_300, %broadcast_in_dim3A_302, %select_n3A_297 : vector<2048x128xi1>, vector<2048x128xf32>
    %select_n3A_304 = arith.select %gt3A_300, %slice3A_299, %select_n3A_298 : vector<2048x128xi1>, vector<2048x128xf32>
    %slice3A_305 = vector.extract_strided_slice %dot_general3A_214 {offsets = [0, 1920], sizes = [2048, 128], strides = [1, 1]} : vector<2048x2048xf32> to vector<2048x128xf32>
    %gt3A_306 = arith.cmpf ogt, %slice3A_305, %select_n3A_304 : vector<2048x128xf32>
    %jit3A_307 = arith.constant 4.700000e+01 : f32
    %broadcast_in_dim3A_308 = vector.broadcast %jit3A_307 : f32 to vector<2048x128xf32>
    %select_n3A_309 = arith.select %gt3A_306, %broadcast_in_dim3A_308, %select_n3A_303 : vector<2048x128xi1>, vector<2048x128xf32>
    %select_n3A_310 = arith.select %gt3A_306, %slice3A_305, %select_n3A_304 : vector<2048x128xi1>, vector<2048x128xf32>
    %get3A_311 = arith.constant 6144 : index
    %get3A_312 = arith.constant 0 : index
    %get3A_313 = vector.load %arg5[%get3A_311, %get3A_312] : memref<8192x64xbf16, #tpu.memory_space<vmem>>, vector<2048x64xbf16>
    %dot_general3A_314 = arith.constant dense<0.000000e+00> : vector<2048x2048xf32>
    %dot_general3A_315 = tpu.matmul %convert_element_type3A_8, %get3A_313, %dot_general3A_314 {dimension_numbers = #tpu.dot_dimension_numbers<[1], [1], [0], [0], [0, 0, 1, 0], [], []>, transpose_lhs_hint = false} : vector<2048x64xbf16>, vector<2048x64xbf16>, vector<2048x2048xf32> -> vector<2048x2048xf32>
    %slice3A_316 = vector.extract_strided_slice %dot_general3A_315 {offsets = [0, 0], sizes = [2048, 128], strides = [1, 1]} : vector<2048x2048xf32> to vector<2048x128xf32>
    %gt3A_317 = arith.cmpf ogt, %slice3A_316, %select_n3A_310 : vector<2048x128xf32>
    %jit3A_318 = arith.constant 4.800000e+01 : f32
    %broadcast_in_dim3A_319 = vector.broadcast %jit3A_318 : f32 to vector<2048x128xf32>
    %select_n3A_320 = arith.select %gt3A_317, %broadcast_in_dim3A_319, %select_n3A_309 : vector<2048x128xi1>, vector<2048x128xf32>
    %select_n3A_321 = arith.select %gt3A_317, %slice3A_316, %select_n3A_310 : vector<2048x128xi1>, vector<2048x128xf32>
    %slice3A_322 = vector.extract_strided_slice %dot_general3A_315 {offsets = [0, 128], sizes = [2048, 128], strides = [1, 1]} : vector<2048x2048xf32> to vector<2048x128xf32>
    %gt3A_323 = arith.cmpf ogt, %slice3A_322, %select_n3A_321 : vector<2048x128xf32>
    %jit3A_324 = arith.constant 4.900000e+01 : f32
    %broadcast_in_dim3A_325 = vector.broadcast %jit3A_324 : f32 to vector<2048x128xf32>
    %select_n3A_326 = arith.select %gt3A_323, %broadcast_in_dim3A_325, %select_n3A_320 : vector<2048x128xi1>, vector<2048x128xf32>
    %select_n3A_327 = arith.select %gt3A_323, %slice3A_322, %select_n3A_321 : vector<2048x128xi1>, vector<2048x128xf32>
    %slice3A_328 = vector.extract_strided_slice %dot_general3A_315 {offsets = [0, 256], sizes = [2048, 128], strides = [1, 1]} : vector<2048x2048xf32> to vector<2048x128xf32>
    %gt3A_329 = arith.cmpf ogt, %slice3A_328, %select_n3A_327 : vector<2048x128xf32>
    %jit3A_330 = arith.constant 5.000000e+01 : f32
    %broadcast_in_dim3A_331 = vector.broadcast %jit3A_330 : f32 to vector<2048x128xf32>
    %select_n3A_332 = arith.select %gt3A_329, %broadcast_in_dim3A_331, %select_n3A_326 : vector<2048x128xi1>, vector<2048x128xf32>
    %select_n3A_333 = arith.select %gt3A_329, %slice3A_328, %select_n3A_327 : vector<2048x128xi1>, vector<2048x128xf32>
    %slice3A_334 = vector.extract_strided_slice %dot_general3A_315 {offsets = [0, 384], sizes = [2048, 128], strides = [1, 1]} : vector<2048x2048xf32> to vector<2048x128xf32>
    %gt3A_335 = arith.cmpf ogt, %slice3A_334, %select_n3A_333 : vector<2048x128xf32>
    %jit3A_336 = arith.constant 5.100000e+01 : f32
    %broadcast_in_dim3A_337 = vector.broadcast %jit3A_336 : f32 to vector<2048x128xf32>
    %select_n3A_338 = arith.select %gt3A_335, %broadcast_in_dim3A_337, %select_n3A_332 : vector<2048x128xi1>, vector<2048x128xf32>
    %select_n3A_339 = arith.select %gt3A_335, %slice3A_334, %select_n3A_333 : vector<2048x128xi1>, vector<2048x128xf32>
    %slice3A_340 = vector.extract_strided_slice %dot_general3A_315 {offsets = [0, 512], sizes = [2048, 128], strides = [1, 1]} : vector<2048x2048xf32> to vector<2048x128xf32>
    %gt3A_341 = arith.cmpf ogt, %slice3A_340, %select_n3A_339 : vector<2048x128xf32>
    %jit3A_342 = arith.constant 5.200000e+01 : f32
    %broadcast_in_dim3A_343 = vector.broadcast %jit3A_342 : f32 to vector<2048x128xf32>
    %select_n3A_344 = arith.select %gt3A_341, %broadcast_in_dim3A_343, %select_n3A_338 : vector<2048x128xi1>, vector<2048x128xf32>
    %select_n3A_345 = arith.select %gt3A_341, %slice3A_340, %select_n3A_339 : vector<2048x128xi1>, vector<2048x128xf32>
    %slice3A_346 = vector.extract_strided_slice %dot_general3A_315 {offsets = [0, 640], sizes = [2048, 128], strides = [1, 1]} : vector<2048x2048xf32> to vector<2048x128xf32>
    %gt3A_347 = arith.cmpf ogt, %slice3A_346, %select_n3A_345 : vector<2048x128xf32>
    %jit3A_348 = arith.constant 5.300000e+01 : f32
    %broadcast_in_dim3A_349 = vector.broadcast %jit3A_348 : f32 to vector<2048x128xf32>
    %select_n3A_350 = arith.select %gt3A_347, %broadcast_in_dim3A_349, %select_n3A_344 : vector<2048x128xi1>, vector<2048x128xf32>
    %select_n3A_351 = arith.select %gt3A_347, %slice3A_346, %select_n3A_345 : vector<2048x128xi1>, vector<2048x128xf32>
    %slice3A_352 = vector.extract_strided_slice %dot_general3A_315 {offsets = [0, 768], sizes = [2048, 128], strides = [1, 1]} : vector<2048x2048xf32> to vector<2048x128xf32>
    %gt3A_353 = arith.cmpf ogt, %slice3A_352, %select_n3A_351 : vector<2048x128xf32>
    %jit3A_354 = arith.constant 5.400000e+01 : f32
    %broadcast_in_dim3A_355 = vector.broadcast %jit3A_354 : f32 to vector<2048x128xf32>
    %select_n3A_356 = arith.select %gt3A_353, %broadcast_in_dim3A_355, %select_n3A_350 : vector<2048x128xi1>, vector<2048x128xf32>
    %select_n3A_357 = arith.select %gt3A_353, %slice3A_352, %select_n3A_351 : vector<2048x128xi1>, vector<2048x128xf32>
    %slice3A_358 = vector.extract_strided_slice %dot_general3A_315 {offsets = [0, 896], sizes = [2048, 128], strides = [1, 1]} : vector<2048x2048xf32> to vector<2048x128xf32>
    %gt3A_359 = arith.cmpf ogt, %slice3A_358, %select_n3A_357 : vector<2048x128xf32>
    %jit3A_360 = arith.constant 5.500000e+01 : f32
    %broadcast_in_dim3A_361 = vector.broadcast %jit3A_360 : f32 to vector<2048x128xf32>
    %select_n3A_362 = arith.select %gt3A_359, %broadcast_in_dim3A_361, %select_n3A_356 : vector<2048x128xi1>, vector<2048x128xf32>
    %select_n3A_363 = arith.select %gt3A_359, %slice3A_358, %select_n3A_357 : vector<2048x128xi1>, vector<2048x128xf32>
    %slice3A_364 = vector.extract_strided_slice %dot_general3A_315 {offsets = [0, 1024], sizes = [2048, 128], strides = [1, 1]} : vector<2048x2048xf32> to vector<2048x128xf32>
    %gt3A_365 = arith.cmpf ogt, %slice3A_364, %select_n3A_363 : vector<2048x128xf32>
    %jit3A_366 = arith.constant 5.600000e+01 : f32
    %broadcast_in_dim3A_367 = vector.broadcast %jit3A_366 : f32 to vector<2048x128xf32>
    %select_n3A_368 = arith.select %gt3A_365, %broadcast_in_dim3A_367, %select_n3A_362 : vector<2048x128xi1>, vector<2048x128xf32>
    %select_n3A_369 = arith.select %gt3A_365, %slice3A_364, %select_n3A_363 : vector<2048x128xi1>, vector<2048x128xf32>
    %slice3A_370 = vector.extract_strided_slice %dot_general3A_315 {offsets = [0, 1152], sizes = [2048, 128], strides = [1, 1]} : vector<2048x2048xf32> to vector<2048x128xf32>
    %gt3A_371 = arith.cmpf ogt, %slice3A_370, %select_n3A_369 : vector<2048x128xf32>
    %jit3A_372 = arith.constant 5.700000e+01 : f32
    %broadcast_in_dim3A_373 = vector.broadcast %jit3A_372 : f32 to vector<2048x128xf32>
    %select_n3A_374 = arith.select %gt3A_371, %broadcast_in_dim3A_373, %select_n3A_368 : vector<2048x128xi1>, vector<2048x128xf32>
    %select_n3A_375 = arith.select %gt3A_371, %slice3A_370, %select_n3A_369 : vector<2048x128xi1>, vector<2048x128xf32>
    %slice3A_376 = vector.extract_strided_slice %dot_general3A_315 {offsets = [0, 1280], sizes = [2048, 128], strides = [1, 1]} : vector<2048x2048xf32> to vector<2048x128xf32>
    %gt3A_377 = arith.cmpf ogt, %slice3A_376, %select_n3A_375 : vector<2048x128xf32>
    %jit3A_378 = arith.constant 5.800000e+01 : f32
    %broadcast_in_dim3A_379 = vector.broadcast %jit3A_378 : f32 to vector<2048x128xf32>
    %select_n3A_380 = arith.select %gt3A_377, %broadcast_in_dim3A_379, %select_n3A_374 : vector<2048x128xi1>, vector<2048x128xf32>
    %select_n3A_381 = arith.select %gt3A_377, %slice3A_376, %select_n3A_375 : vector<2048x128xi1>, vector<2048x128xf32>
    %slice3A_382 = vector.extract_strided_slice %dot_general3A_315 {offsets = [0, 1408], sizes = [2048, 128], strides = [1, 1]} : vector<2048x2048xf32> to vector<2048x128xf32>
    %gt3A_383 = arith.cmpf ogt, %slice3A_382, %select_n3A_381 : vector<2048x128xf32>
    %jit3A_384 = arith.constant 5.900000e+01 : f32
    %broadcast_in_dim3A_385 = vector.broadcast %jit3A_384 : f32 to vector<2048x128xf32>
    %select_n3A_386 = arith.select %gt3A_383, %broadcast_in_dim3A_385, %select_n3A_380 : vector<2048x128xi1>, vector<2048x128xf32>
    %select_n3A_387 = arith.select %gt3A_383, %slice3A_382, %select_n3A_381 : vector<2048x128xi1>, vector<2048x128xf32>
    %slice3A_388 = vector.extract_strided_slice %dot_general3A_315 {offsets = [0, 1536], sizes = [2048, 128], strides = [1, 1]} : vector<2048x2048xf32> to vector<2048x128xf32>
    %gt3A_389 = arith.cmpf ogt, %slice3A_388, %select_n3A_387 : vector<2048x128xf32>
    %jit3A_390 = arith.constant 6.000000e+01 : f32
    %broadcast_in_dim3A_391 = vector.broadcast %jit3A_390 : f32 to vector<2048x128xf32>
    %select_n3A_392 = arith.select %gt3A_389, %broadcast_in_dim3A_391, %select_n3A_386 : vector<2048x128xi1>, vector<2048x128xf32>
    %select_n3A_393 = arith.select %gt3A_389, %slice3A_388, %select_n3A_387 : vector<2048x128xi1>, vector<2048x128xf32>
    %slice3A_394 = vector.extract_strided_slice %dot_general3A_315 {offsets = [0, 1664], sizes = [2048, 128], strides = [1, 1]} : vector<2048x2048xf32> to vector<2048x128xf32>
    %gt3A_395 = arith.cmpf ogt, %slice3A_394, %select_n3A_393 : vector<2048x128xf32>
    %jit3A_396 = arith.constant 6.100000e+01 : f32
    %broadcast_in_dim3A_397 = vector.broadcast %jit3A_396 : f32 to vector<2048x128xf32>
    %select_n3A_398 = arith.select %gt3A_395, %broadcast_in_dim3A_397, %select_n3A_392 : vector<2048x128xi1>, vector<2048x128xf32>
    %select_n3A_399 = arith.select %gt3A_395, %slice3A_394, %select_n3A_393 : vector<2048x128xi1>, vector<2048x128xf32>
    %slice3A_400 = vector.extract_strided_slice %dot_general3A_315 {offsets = [0, 1792], sizes = [2048, 128], strides = [1, 1]} : vector<2048x2048xf32> to vector<2048x128xf32>
    %gt3A_401 = arith.cmpf ogt, %slice3A_400, %select_n3A_399 : vector<2048x128xf32>
    %jit3A_402 = arith.constant 6.200000e+01 : f32
    %broadcast_in_dim3A_403 = vector.broadcast %jit3A_402 : f32 to vector<2048x128xf32>
    %select_n3A_404 = arith.select %gt3A_401, %broadcast_in_dim3A_403, %select_n3A_398 : vector<2048x128xi1>, vector<2048x128xf32>
    %select_n3A_405 = arith.select %gt3A_401, %slice3A_400, %select_n3A_399 : vector<2048x128xi1>, vector<2048x128xf32>
    %slice3A_406 = vector.extract_strided_slice %dot_general3A_315 {offsets = [0, 1920], sizes = [2048, 128], strides = [1, 1]} : vector<2048x2048xf32> to vector<2048x128xf32>
    %gt3A_407 = arith.cmpf ogt, %slice3A_406, %select_n3A_405 : vector<2048x128xf32>
    %jit3A_408 = arith.constant 6.300000e+01 : f32
    %broadcast_in_dim3A_409 = vector.broadcast %jit3A_408 : f32 to vector<2048x128xf32>
    %select_n3A_410 = arith.select %gt3A_407, %broadcast_in_dim3A_409, %select_n3A_404 : vector<2048x128xi1>, vector<2048x128xf32>
    %select_n3A_411 = arith.select %gt3A_407, %slice3A_406, %select_n3A_405 : vector<2048x128xi1>, vector<2048x128xf32>
    %reduce_max3A = arith.constant dense<0xFF800000> : vector<2048xf32>
    %reduce_max3A_412 = vector.multi_reduction <maximumf>, %select_n3A_411, %reduce_max3A [1] : vector<2048x128xf32> to vector<2048xf32>
    %broadcast_in_dim3A_413 = vector.shape_cast %reduce_max3A_412 : vector<2048xf32> to vector<2048x1xf32>
    %iota3A = tpu.iota {dimensions = array<i32: 1>} : vector<1x128xi32>
    %convert_element_type3A_414 = arith.sitofp %iota3A : vector<1x128xi32> to vector<1x128xf32>
    %mul3A_415 = arith.constant 1.280000e+02 : f32
    %mul3A_416 = vector.broadcast %mul3A_415 : f32 to vector<2048x128xf32>
    %mul3A_417 = arith.mulf %select_n3A_410, %mul3A_416 : vector<2048x128xf32>
    %add3A = vector.broadcast %convert_element_type3A_414 : vector<1x128xf32> to vector<2048x128xf32>
    %add3A_418 = arith.addf %mul3A_417, %add3A : vector<2048x128xf32>
    %eq3A_419 = vector.broadcast %broadcast_in_dim3A_413 : vector<2048x1xf32> to vector<2048x128xf32>
    %eq3A_420 = arith.cmpf oeq, %select_n3A_411, %eq3A_419 : vector<2048x128xf32>
    %jit3A_421 = arith.constant 0x7F800000 : f32
    %broadcast_in_dim3A_422 = vector.broadcast %jit3A_421 : f32 to vector<2048x128xf32>
    %select_n3A_423 = arith.select %eq3A_420, %add3A_418, %broadcast_in_dim3A_422 : vector<2048x128xi1>, vector<2048x128xf32>
    %reduce_min3A = arith.constant dense<0x7F800000> : vector<2048xf32>
    %reduce_min3A_424 = vector.multi_reduction <minimumf>, %select_n3A_423, %reduce_min3A [1] : vector<2048x128xf32> to vector<2048xf32>
    %broadcast_in_dim3A_425 = vector.shape_cast %reduce_min3A_424 : vector<2048xf32> to vector<2048x1xf32>
    %convert_element_type3A_426 = arith.fptosi %broadcast_in_dim3A_425 : vector<2048x1xf32> to vector<2048x1xi32>
    %swap3A = arith.constant 0 : index
    %swap3A_427 = arith.constant 0 : index
    %swap3A_428 = vector.load %arg3[%swap3A, %swap3A_427] : memref<2048x1xi32, #tpu.memory_space<vmem>>, vector<2048x1xi32>
    tpu.vector_store %arg3[%swap3A, %swap3A_427], %convert_element_type3A_426 {strides = array<i32>} : memref<2048x1xi32, #tpu.memory_space<vmem>>, vector<2048x1xi32>,
    return
  }
  func.func @transform_0(%arg0: i32) -> (i32, i32) {
    %c0_i32 = arith.constant 0 : i32
    %c0_i32_0 = arith.constant 0 : i32
    return %arg0, %c0_i32 : i32, i32
  }
  func.func @transform_1(%arg0: i32) -> (i32, i32) {
    %c0_i32 = arith.constant 0 : i32
    %c0_i32_0 = arith.constant 0 : i32
    %c0_i32_1 = arith.constant 0 : i32
    return %c0_i32, %c0_i32_0 : i32, i32
  }
  func.func @transform_2(%arg0: i32) -> (i32, i32) {
    %c0_i32 = arith.constant 0 : i32
    %c0_i32_0 = arith.constant 0 : i32
    return %arg0, %c0_i32 : i32, i32
  }
  func.func @transform_3(%arg0: i32) -> (i32, i32) {
    %c0_i32 = arith.constant 0 : i32
    %c0_i32_0 = arith.constant 0 : i32
    %c0_i32_1 = arith.constant 0 : i32
    return %c0_i32, %c0_i32_0 : i32, i32
  }
}

module attributes {stable_mosaic.version = 14 : i64} {
  func.func @_clip_body(%arg0: i32, %arg1: memref<2048x64xf32, #tpu.memory_space<vmem>>, %arg2: memref<2048x128xf32, #tpu.memory_space<vmem>>, %arg3: memref<2048x64xf32, #tpu.memory_space<vmem>>) attributes {dimension_semantics = [#tpu.dimension_semantics<arbitrary>], iteration_bounds = array<i64: 8>, scalar_prefetch = 0 : i64, scratch_operands = 0 : i64, tpu.core_type = #tpu.core_type<tc>, window_params = [{transform_indices = @transform_0, window_bounds = array<i64: 2048, 64>}, {transform_indices = @transform_1, window_bounds = array<i64: 2048, 128>}, {transform_indices = @transform_2, window_bounds = array<i64: 2048, 64>}]} {
    %get3A = arith.constant 0 : index
    %get3A_0 = arith.constant 0 : index
    %get3A_1 = vector.load %arg1[%get3A, %get3A_0] : memref<2048x64xf32, #tpu.memory_space<vmem>>, vector<2048x64xf32>
    %get3A_2 = arith.constant 0 : index
    %get3A_3 = arith.constant 0 : index
    %get3A_4 = vector.load %arg2[%get3A_2, %get3A_3] : memref<2048x128xf32, #tpu.memory_space<vmem>>, vector<2048x64xf32>
    %sub3A = arith.subf %get3A_1, %get3A_4 : vector<2048x64xf32>
    %mul3A = arith.mulf %sub3A, %sub3A : vector<2048x64xf32>
    %reduce_sum3A = arith.constant dense<0.000000e+00> : vector<2048xf32>
    %reduce_sum3A_5 = vector.multi_reduction <add>, %mul3A, %reduce_sum3A [1] : vector<2048x64xf32> to vector<2048xf32>
    %broadcast_in_dim3A = vector.shape_cast %reduce_sum3A_5 : vector<2048xf32> to vector<2048x1xf32>
    %mul3A_6 = arith.mulf %get3A_4, %get3A_4 : vector<2048x64xf32>
    %reduce_sum3A_7 = arith.constant dense<0.000000e+00> : vector<2048xf32>
    %reduce_sum3A_8 = vector.multi_reduction <add>, %mul3A_6, %reduce_sum3A_7 [1] : vector<2048x64xf32> to vector<2048xf32>
    %broadcast_in_dim3A_9 = vector.shape_cast %reduce_sum3A_8 : vector<2048xf32> to vector<2048x1xf32>
    %sqrt3A = math.sqrt %broadcast_in_dim3A_9 : vector<2048x1xf32>
    %mul3A_10 = arith.constant 1.000000e-01 : f32
    %mul3A_11 = vector.broadcast %mul3A_10 : f32 to vector<2048x1xf32>
    %mul3A_12 = arith.mulf %mul3A_11, %sqrt3A : vector<2048x1xf32>
    %sqrt3A_13 = math.sqrt %broadcast_in_dim3A : vector<2048x1xf32>
    %add3A = arith.constant 9.99999993E-9 : f32
    %add3A_14 = vector.broadcast %add3A : f32 to vector<2048x1xf32>
    %add3A_15 = arith.addf %sqrt3A_13, %add3A_14 : vector<2048x1xf32>
    %div3A = arith.divf %mul3A_12, %add3A_15 : vector<2048x1xf32>
    %min3A = arith.constant 1.000000e+00 : f32
    %min3A_16 = vector.broadcast %min3A : f32 to vector<2048x1xf32>
    %min3A_17 = arith.minimumf %div3A, %min3A_16 : vector<2048x1xf32>
    %mul3A_18 = vector.broadcast %min3A_17 : vector<2048x1xf32> to vector<2048x64xf32>
    %mul3A_19 = arith.mulf %sub3A, %mul3A_18 : vector<2048x64xf32>
    %add3A_20 = arith.addf %get3A_4, %mul3A_19 : vector<2048x64xf32>
    %swap3A = arith.constant 0 : index
    %swap3A_21 = arith.constant 0 : index
    %swap3A_22 = vector.load %arg3[%swap3A, %swap3A_21] : memref<2048x64xf32, #tpu.memory_space<vmem>>, vector<2048x64xf32>
    tpu.vector_store %arg3[%swap3A, %swap3A_21], %add3A_20 {strides = array<i32>} : memref<2048x64xf32, #tpu.memory_space<vmem>>, vector<2048x64xf32>,
    return
  }
  func.func @transform_0(%arg0: i32) -> (i32, i32) {
    %c0_i32 = arith.constant 0 : i32
    %c0_i32_0 = arith.constant 0 : i32
    return %arg0, %c0_i32 : i32, i32
  }
  func.func @transform_1(%arg0: i32) -> (i32, i32) {
    %c0_i32 = arith.constant 0 : i32
    %c0_i32_0 = arith.constant 0 : i32
    return %arg0, %c0_i32 : i32, i32
  }
  func.func @transform_2(%arg0: i32) -> (i32, i32) {
    %c0_i32 = arith.constant 0 : i32
    %c0_i32_0 = arith.constant 0 : i32
    return %arg0, %c0_i32 : i32, i32
  }
}

</mosaic_0001>

<sc_bundles>
// kernel: kernel.5.cloned.1.call-start
scs
__scs_entry_jumppad:
0x0: {  	(pc) =	sbr.rel $0x88, $3  }
0x1: {  	(tag) =	ssettag $0x0;
	lr =	simm.s32 $0x1  }
0x2: {  	[smem:$0x3F9F] =	sst lr;
	_ =	strace $0xD0000000  }
0x3: {  	_ = 	snop  }
0x4: {  	_ = 	snop  }
0x5: {  	_ = 	snop  }
0x6: {  	_ = 	snop  }
0x7: {  	_ = 	snop  }
__scs_overlays_trampoline_lowered:
0x8: {  	[smem:$0x3FAE] =	sst s0  }
0x9: {  	[smem:$0x3FAF] =	sst s1  }
0xa: {  	[smem:$0x3FB0] =	sst s2  }
0xb: {  	[smem:$0x3FB1] =	sst s3  }
0xc: {  	[smem:$0x3FB2] =	sst s4  }
0xd: {  	[smem:$0x3FB3] =	sst s5  }
0xe: {  	[smem:$0x3FB4] =	sst s6  }
0xf: {  	[smem:$0x3FB5] =	sst s7  }
0x10: {  	[smem:$0x3FB6] =	sst s8  }
0x11: {  	[smem:$0x3FB7] =	sst s9;
	s0 =	simm.s32 @!p0 $0x0  }
0x12: {  	s1 =	sld [smem:$0x3F9D];
	s0 =	simm.s32 @p0 $0x1  }
0x13: {  	[smem:$0x3FB8] =	sst s0;
	s0 =	simm.s32 @!p1 $0x0  }
0x14: {  	s2 =	sld [smem:$0x3F9C];
	s0 =	simm.s32 @p1 $0x1  }
0x15: {  	[smem:$0x3FB9] =	sst s0;
	s0 =	simm.s32 @!p2 $0x0  }
0x16: {  	s3 =	sld [smem:$0x3FDB];
	s0 =	simm.s32 @p2 $0x1  }
0x17: {  	s4 =	simm.s32 $0x1BF5;
	[smem:$0x3FBB] =	sst s0  }
0x18: {  	s0 =	sld [smem:$0x3F9E];
	_ =	swait.ge [sflag:s4], $0x0  }
0x19: {  	s7 =	sld [smem:$0x3F9F]  }
0x1a: {  	s8 =	sadd.s32 $0xFFFFE003, lr  }
0x1b: {  	s9 =	sadd.s32 $0xFFFFFEF7, lr;
	s5 =	simm.s32 $0xFFFFFFFF;
	p2 =	slt.u32 s8, $0xFFFFF086  }
0x1c: {  	p1 =	slt.u32 s9, $0xF7A;
	s5 =	simm.s32 @!p2 $0x0  }
0x1d: {  	s5 =	simm.s32 @p1 $0x1;
	p0 =	seq.s32 s7, s2  }
0x1e: {  	s7 =	smul.u32 @!p0 $0xF7A, s2;
	p2 =	seq.s32 @!p0 s5, $0x0  }
0x1f: {  	s9 =	smul.u32 $0xF7A, s1;
	s8 =	simm.s32 @!p0 $0x1BF5;
	p2 =	por !p2, p0  }
0x20: {  	[sflag:s8] =	ssyncset.s32 @!p0 $0xFFFFF086;
	s6 =	sadd.s32 @!p0 s3, s7;
	s7 =	simm.s32 @!p0 $0x108  }
0x21: {  	s3 =	sadd.s32 s3, s9;
	s6 =	sadd.s32 @!p0 $0x88, s6;
	s7 =	simm.s32 @p2 $0x1082  }
0x22: {  	[simem:s7], [sflag:s8] =	dma.local @!p0 [hbm:s6], $0xF7A  }
0x23: {  	s9 =	sor.u32 $0xD0000000, s2;
	s6 =	simm.s32 $0x108;
	_ =	swait.ge @!p0 [sflag:s8], $0x0  }
0x24: {  	s3 =	sadd.s32 $0x88, s3;
	s6 =	simm.s32 @!p1 $0x1082;
	[sflag:s4] =	ssyncset.s32 $0xFFFFF086  }
0x25: {  	[simem:s6], [sflag:s4] =	dma.local [hbm:s3], $0xF7A  }
0x26: {  	[smem:$0x3F9F] =	sst s1;
	(tag) =	ssettag s2;
	_ =	strace s9  }
0x27: {  	s1 =	sld [smem:$0x3FAF]  }
0x28: {  	s2 =	sld [smem:$0x3FB0]  }
0x29: {  	s4 =	sld [smem:$0x3FB2]  }
0x2a: {  	p0 =	seq.s32 s5, $0x0;
	s5 =	sld [smem:$0x3FB3]  }
0x2b: {  	s6 =	sld [smem:$0x3FB4]  }
0x2c: {  	s7 =	sld [smem:$0x3FB5]  }
0x2d: {  	s3 =	simm.s32 $0x108;
	s8 =	sld [smem:$0x3FB6]  }
0x2e: {  	s3 =	simm.s32 @!p0 $0x1082;
	s9 =	sld [smem:$0x3FB7]  }
0x2f: {  	lr =	sadd.s32 s0, s3;
	s0 =	sld [smem:$0x3FAE]  }
0x30: {  	s3 =	sld [smem:$0x3FB1]  }
0x31: {  	[smem:$0x3FBA] =	sst s10  }
0x32: {  	s10 =	sld [smem:$0x3FB8];
	_ =	sdelay $0x3  }
0x33: {  	p0 =	seq.s32 s10, $0x1;
	s10 =	sld [smem:$0x3FBA];
	_ =	sdelay $0x3  }
0x34: {  	[smem:$0x3FBA] =	sst s10  }
0x35: {  	s10 =	sld [smem:$0x3FB9];
	_ =	sdelay $0x3  }
0x36: {  	p1 =	seq.s32 s10, $0x1;
	s10 =	sld [smem:$0x3FBA];
	_ =	sdelay $0x3  }
0x37: {  	[smem:$0x3FBA] =	sst s10  }
0x38: {  	s10 =	sld [smem:$0x3FBB]  }
0x39: {  	_ = 	snop;
	(pc) =	sbr.ind lr, $3  }
0x3a: {  	_ = 	snop  }
0x3b: {  	_ = 	snop  }
0x3c: {  	p2 =	seq.s32 s10, $0x1;
	s10 =	sld [smem:$0x3FBA]  }
0x3d: {  	_ =	shalt  }
0x3e: {  	_ =	shalt  }
0x3f: {  	_ =	shalt  }
0x40: {  	_ =	shalt  }
0x41: {  	_ =	shalt  }
0x42: {  	_ =	shalt  }
0x43: {  	_ =	shalt  }
0x44: {  	_ =	shalt  }
0x45: {  	_ =	shalt  }
0x46: {  	_ =	shalt  }
0x47: {  	_ =	shalt  }
0x48: {  	_ =	shalt  }
0x49: {  	_ =	shalt  }
0x4a: {  	_ =	shalt  }
0x4b: {  	_ =	shalt  }
0x4c: {  	_ =	shalt  }
0x4d: {  	_ =	shalt  }
0x4e: {  	_ =	shalt  }
0x4f: {  	_ =	shalt  }
0x50: {  	_ =	shalt  }
0x51: {  	_ =	shalt  }
0x52: {  	_ =	shalt  }
0x53: {  	_ =	shalt  }
0x54: {  	_ =	shalt  }
0x55: {  	_ =	shalt  }
0x56: {  	_ =	shalt  }
0x57: {  	_ =	shalt  }
0x58: {  	_ =	shalt  }
0x59: {  	_ =	shalt  }
0x5a: {  	_ =	shalt  }
0x5b: {  	_ =	shalt  }
0x5c: {  	_ =	shalt  }
0x5d: {  	_ =	shalt  }
0x5e: {  	_ =	shalt  }
0x5f: {  	_ =	shalt  }
0x60: {  	_ =	shalt  }
0x61: {  	_ =	shalt  }
0x62: {  	_ =	shalt  }
0x63: {  	_ =	shalt  }
0x64: {  	_ =	shalt  }
0x65: {  	_ =	shalt  }
0x66: {  	_ =	shalt  }
0x67: {  	_ =	shalt  }
0x68: {  	_ =	shalt  }
0x69: {  	_ =	shalt  }
0x6a: {  	_ =	shalt  }
0x6b: {  	_ =	shalt  }
0x6c: {  	_ =	shalt  }
0x6d: {  	_ =	shalt  }
0x6e: {  	_ =	shalt  }
0x6f: {  	_ =	shalt  }
0x70: {  	_ =	shalt  }
0x71: {  	_ =	shalt  }
0x72: {  	_ =	shalt  }
0x73: {  	_ =	shalt  }
0x74: {  	_ =	shalt  }
0x75: {  	_ =	shalt  }
0x76: {  	_ =	shalt  }
0x77: {  	_ =	shalt  }
0x78: {  	_ =	shalt  }
0x79: {  	_ =	shalt  }
0x7a: {  	_ =	shalt  }
0x7b: {  	_ =	shalt  }
0x7c: {  	_ =	shalt  }
0x7d: {  	_ =	shalt  }
0x7e: {  	_ =	shalt  }
0x7f: {  	_ =	shalt  }
0x80: {  	_ =	shalt  }
0x81: {  	_ =	shalt  }
0x82: {  	_ =	shalt  }
0x83: {  	_ =	shalt  }
0x84: {  	_ =	shalt  }
0x85: {  	_ =	shalt  }
0x86: {  	_ =	shalt  }
0x87: {  	_ =	shalt  }
.Lfunc_end0:
.L_simem_size_0:
called_computation_lowered:
.L_overlay_start_0:
0x88: {  	s2 =	sld [smem:$0x3FD9]  }
0x89: {  	s3 =	sld [smem:$0x3FFE];
	_ =	sdelay $0x1  }
0x8a: {  	s1 =	srdreg.scid  }
0x8b: {  	s0 =	sand.u32 $0x1, s1  }
0x8c: {  	s14 =	sshll.u32 s0, $0xA;
	s2 =	sadd.s32 s3, s2  }
0x8d: {  	s2 =	sadd.s32 s2, s14  }
0x8e: {  	[smem:$0x3FC6] =	sst s2  }
0x8f: {  	_ = 	snop  }
0x90: {  	s2 =	sld [smem:$0x3FD0];
	_ =	sdelay $0x2  }
0x91: {  	s15 =	simm.s32 $0xA;
	s4 =	simm.s32 $0x10  }
0x92: {  	[smem:s4], [sflag:s15] =	dma.local [hbm:s2], $0x1  }
0x93: {  	_ =	swait.eq [sflag:s15], $0x1  }
0x94: {  	[sflag:s15] =	ssyncset.done $0x0  }
0x95: {  	[sflag:s15] =	ssyncadd.s32 $0xFFFFFFFF  }
0x96: {  	s16 =	sld [smem:$0x10];
	(tm) =	ssettm $0x1  }
0x97: {  	s17 =	sld [smem:$0x3FFB];
	_ =	sdelay $0x3  }
0x98: {  	_ =	strace s17  }
0x99: {  	s3 =	sld [smem:$0x3FFC];
	_ =	sdelay $0x3  }
0x9a: {  	_ =	strace s3  }
0x9b: {  	s3 =	sld [smem:$0x3FFD];
	_ =	sdelay $0x3  }
0x9c: {  	_ =	strace s3  }
0x9d: {  	_ =	strace $0x8FFFFFFF  }
0x9e: {  	s18 =	sld [smem:$0x3FDB];
	_ =	sdelay $0x1  }
0x9f: {  	s19 =	simm.s32 $_scs_section_size  }
0xa0: {  	s5 =	simm.s32 $_size__tile_overlayer_lowered;
	s6 =	simm.s32 $_tile_overlayer_lowered  }
0xa1: {  	s22 =	simm.s32 $0x1BFF;
	s21 =	sshll.u32 s6, $0x1;
	s3 =	sadd.s32 s19, s18  }
0xa2: {  	s7 =	simm.s32 $0x0;
	s20 =	sshll.u32 s5, $0x1;
	s5 =	sadd.s32 s21, s3  }
0xa3: {  	[timem:s7], [sflag:s22] =	dma.local [hbm:s5], s20  }
0xa4: {  	_ =	swait.ge [sflag:s22], s20  }
0xa5: {  	s4 =	ssub.s32 $0x0, s20;
	[sflag:s22] =	ssyncset.done $0x0  }
0xa6: {  	[sflag:s22] =	ssyncadd.s32 s4;
	_ =	sdelay $0x1  }
0xa7: {  	s23 =	simm.s32 $0x1B8B  }
0xa8: {  	_ =	swait.ge [sflag:s23], $0x1  }
0xa9: {  	[sflag:s23] =	ssyncset.done $0x0  }
0xaa: {  	s25 =	simm.s32 $0x1B8E;
	s24 =	sld [smem:$0x3FFE];
	[sflag:s23] =	ssyncadd.s32 $0xFFFFFFFF  }
0xab: {  	s26 =	simm.s32 $execute0_lowered;
	[smem:$0x3FD2] =	sst s25  }
0xac: {  	s5 =	sshll.u32 s26, $0x1;
	_ =	strace $0x80000046;
	[dreg:$0x1] =	wrdreg $0xFFFFFFFF  }
0xad: {  	s28 =	simm.s32 $_size_execute0_lowered;
	s3 =	sadd.s32 s3, s5;
	[dreg:$0x0] =	wrdreg $0x0  }
0xae: {  	s5 =	sshll.u32 s28, $0x1;
	[dreg:$0x2] =	wrdreg s3  }
0xaf: {  	[dreg:$0x3] =	wrdreg s5  }
0xb0: {  	[dreg:$0x4] =	wrdreg $0xC0  }
0xb1: {  	_ =	task [dreg:s7], $0x5FFFF  }
0xb2: {  	[dreg:$0x1] =	wrdreg $0xFFFFFFFF  }
0xb3: {  	[dreg:$0x0] =	wrdreg $0x60  }
0xb4: {  	[dreg:$0x2] =	wrdreg s24  }
0xb5: {  	[dreg:$0x3] =	wrdreg s16  }
0xb6: {  	[dreg:$0x4] =	wrdreg $0x9  }
0xb7: {  	_ =	task.clear_ibuf [dreg:s7], $0x5FFFF;
	_ =	strace $0x90000046  }
0xb8: {  	s29 =	simm.s32 $0x9;
	_ =	strace $0x80000048  }
0xb9: {  	_ =	swait.ge [sflag:s29], $0x1  }
0xba: {  	[sflag:s29] =	ssyncadd.s32 $0xFFFFFFFF  }
0xbb: {  	_ =	strace $0x90000048  }
0xbc: {  	_ =	sfence  }
0xbd: {  	s30 =	sld [smem:$0x0];
	_ =	sdelay $0x2  }
0xbe: {  	s31 =	sshll.u32 s1, $0xD;
	s1 =	sshrl.u32 s1, $0x2  }
0xbf: {  	s3 =	sand.u32 $0x4000, s31;
	s1 =	sadd.s32 s1, s30  }
0xc0: {  	s0 =	sor.u32 s3, s0;
	s1 =	sshll.u32 s1, $0x11  }
0xc1: {  	s0 =	sor.u32 s1, s0  }
0xc2: {  	s0 =	sadd.s32 $0x8F2B, s0  }
0xc3: {  	[sflag:s0] =	ssyncadd.remote.s32 $0x1  }
0xc4: {  	_ =	sfence.sel $0xFFFF  }
0xc5: {  	[dreg:$0x0] =	wrdreg $0xFFFFFFFF;
	(pc) =	sbr.abs _section_cstart, $3  }
0xc6: {  	[dreg:$0x1] =	wrdreg $0xFFFFFFFF  }
0xc7: {  	_ =	task.clear_ibuf [dreg:s7], $0x2FFFF;
	_ =	strace $0x9FFFFFFF  }
0xc8: {  	(tm) =	ssettm $0x7FFFFFFF  }
0xc9: {  	_ =	shalt  }
tec
execute0_lowered:
.L_overlay_start_1:
0x0: {  	(tag) =	ssettag $0x1  }
0x1: {  	s1 =	srdreg.scid  }
0x2: {  	s0 =	stileid.u32;
	s6 =	sand.u32 $0x1, s1  }
0x3: {  	s8 =	rddreg [dreg:$0x0];
	s30 =	sshll.u32 s0, $0xA;
	s3 =	sshll.u32 s6, $0x9  }
0x4: {  	s2 =	rddreg [dreg:$0x1];
	s7 =	simm.s32 $0x1;
	s9 =	sor.u32 s3, s30  }
0x5: {  	s1 =	rddreg [dreg:$0x2];
	s3 =	simm.s32 $0x0;
	s4 =	sshrl.u32 s9, $0x3  }
0x6: {  	s10 =	ssub.s32 $0x2, s6;
	[smem:$0x7FF] =	sst s3;
	s4 =	sadd.s32 s4, s8  }
0x7: {  	_ =	strace $0x80000047;
	s5 =	sadd.s32 $0x41000, s4;
	s4 =	simm.s32 $0x2  }
0x8: {  	[tilespmem:s3], [sflag:$0x2] =	stream.linear.gather [hbm4b:s5+s3], $0x200, $0x38;
	[tilespmem:$0x10200] =	vst v63  }
0x9: {  	s6 =	simm.s32 $0x200;
	s11 =	sshrl.u32 s10, $0x1;
	_ =	swait.ge [sflag:s4], $0x200  }
0xa: {  	s9 =	sshll.u32 s9, $0x4;
	s31 =	ssub.s32 s10, s11;
	[sflag:s4] =	ssyncset.done $0x0  }
0xb: {  	s8 =	sadd.s32 s9, s8;
	s9 =	smax.u32 s31, $0x1;
	[sflag:s4] =	ssyncadd.s32 $0xFFFFFE00  }
0xc: {  	[tilespmem:s6], [sflag:$0x1] =	stream.indirect.gather [hbm4b:s2+s6], $0x80, s3, s6, $0xb8;
	[tilespmem:$0x10200] =	vst v63  }
0xd: {  	p0 =	sne.s32 s9, $0x1;
	_ =	swait.ge [sflag:s7], $0x10000  }
.Ltmp0:
0xe: {  	[sflag:s7] =	ssyncset.done $0x0;
	(pc) =	sbr.rel @!p0 .LBB2_2-.Ltmp0, $4  }
0xf: {  	s8 =	sadd.s32 $0x41800, s8;
	[sflag:s7] =	ssyncadd.s32 $0xFFFF0000  }
0x10: {  	[hbm4b:s8+s3] =	stream.linear.scatter [tilespmem:s6], [sflag:$0x2], $0x10000, $0x38;
	[tilespmem:$0x10200] =	vst v63  }
0x11: {  	_ =	swait.ge [sflag:s4], $0x10000  }
0x12: {  	s9 =	sadd.s32 $0xFFFFFFFF, s9;
	[sflag:s4] =	ssyncset.done $0x0  }
.LBB2_1:
0x13: {  	p0 =	sne.s32 s9, $0x1;
	s9 =	sadd.s32 $0xFFFFFFFF, s9;
	[sflag:s4] =	ssyncadd.s32 $0xFFFF0000  }
0x14: {  	[tilespmem:s3], [sflag:$0x2] =	stream.linear.gather [hbm4b:s5+s3], $0x200, $0x38;
	[tilespmem:$0x10200] =	vst v63  }
0x15: {  	_ =	swait.ge [sflag:s4], $0x200  }
0x16: {  	[sflag:s4] =	ssyncset.done $0x0  }
0x17: {  	[sflag:s4] =	ssyncadd.s32 $0xFFFFFE00  }
0x18: {  	[tilespmem:s6], [sflag:$0x1] =	stream.indirect.gather [hbm4b:s2+s6], $0x80, s3, s6, $0xb8;
	[tilespmem:$0x10200] =	vst v63  }
0x19: {  	_ =	swait.ge [sflag:s7], $0x10000  }
.Ltmp1:
0x1a: {  	[sflag:s7] =	ssyncset.done $0x0;
	(pc) =	sbr.rel @p0 .LBB2_1-.Ltmp1, $4  }
0x1b: {  	[sflag:s7] =	ssyncadd.s32 $0xFFFF0000  }
0x1c: {  	[hbm4b:s8+s3] =	stream.linear.scatter [tilespmem:s6], [sflag:$0x2], $0x10000, $0x38;
	[tilespmem:$0x10200] =	vst v63  }
0x1d: {  	_ =	swait.ge [sflag:s4], $0x10000  }
0x1e: {  	[sflag:s4] =	ssyncset.done $0x0  }
.LBB2_2:
0x1f: {  	[sflag:s4] =	ssyncadd.s32 $0xFFFF0000  }
0x20: {  	_ =	sfence.sel $0x180000  }
0x21: {  	[bflag:$0x0] =	sbarrier.arrive $0xFFFF  }
0x22: {  	p0 =	sne.s32 s0, $0x0;
	_ =	strace $0x90000047  }
0x23: {  	s0 =	sadd.s32 @!p0 $0x100000, s1;
	[bflag:$0x2] =	sbarrier.arrive $0xFFFF  }
0x24: {  	[sflag:s0] =	ssyncadd.tile.s32 @!p0 $0x1;
	_ =	shalt  }
.Lfunc_end2:
_tile_overlayer_lowered:
.L_overlay_start_2:
0x25: {  	(tag) =	ssettag $0x2  }
0x26: {  	s0 =	rddreg [dreg:$0x0];
	s2 =	stileid.u32  }
0x27: {  	s1 =	rddreg [dreg:$0x1];
	p0 =	sne.s32 s2, $0x0  }
0x28: {  	s3 =	rddreg [dreg:$0x2];
	[bflag:$0x3] =	sbarrier.arrive $0xFFFF;
	s2 =	simm.s32 @!p0 $0x1C02  }
0x29: {  	[timem:s3], [sflag:s2] =	dma.local @!p0 [hbm:s0], s1  }
0x2a: {  	s0 =	simm.s32 @!p0 $0x2  }
0x2b: {  	_ =	swait.ge @!p0 [sflag:s0], s1  }
0x2c: {  	s1 =	ssub.s32 @!p0 $0x0, s1;
	[sflag:s0] =	ssyncset.done @!p0 $0x0  }
0x2d: {  	[sflag:s0] =	ssyncadd.s32 @!p0 s1  }
0x2e: {  	[bflag:$0x3] =	sbarrier.arrive $0xFFFF  }
0x2f: {  	_ =	shalt  }

</sc_bundles>
